<compile_context>
chip_gen: v7x
topology: tpu7x:2x2x1
jax: 0.10.2.dev20260603
libtpu: 0.0.44.dev20260713+nightly
codegen_flags: <defaults>
</compile_context>

<pallas_src>
import functools

import jax
import jax.numpy as jnp
from jax import lax
from jax.experimental import pallas as pl
from jax.experimental.pallas import tpu as pltpu
from jax.experimental.pallas import tpu_sc as plsc

_R_EARTH = 6371.0
_MASK_KM = 82.5
_N = 5978
_K = 32
_H = 361
_W = 720
_NPAD = 6016
_NB = 128
_GRID = _NPAD // _NB
_NROW = 9
_NCOL = 64
_WIN = 640
_NE = _NPAD * _K
_EB = _NB * _K


def _knn_body(slat_ref, cc_ref, rowb_ref, slon_ref, colf_ref, oi_ref, oa_ref):
    slon = slon_ref[...]
    colf = colf_ref[...]
    a_rows = [slat_ref[:, r:r + 1] + cc_ref[:, r:r + 1] * slon for r in range(_NROW)]
    a_rows.append(jnp.full((_NB, _NCOL), 1e9, jnp.float32))
    f_rows = [rowb_ref[:, r:r + 1] + colf for r in range(_NROW)]
    f_rows.append(400000.0 + colf)
    a = jnp.concatenate(a_rows, axis=1)
    fidx = jnp.concatenate(f_rows, axis=1)
    kiota = lax.broadcasted_iota(jnp.int32, (_NB, _K), 1)
    outi = jnp.zeros((_NB, _K), jnp.float32)
    outa = jnp.zeros((_NB, _K), jnp.float32)
    for k in range(_K):
        m = jnp.min(a, axis=1, keepdims=True)
        cand = jnp.where(a == m, fidx, 1e9)
        sel = jnp.min(cand, axis=1, keepdims=True)
        outi = jnp.where(kiota == k, sel, outi)
        outa = jnp.where(kiota == k, m, outa)
        a = jnp.where(fidx == sel, 1e30, a)
    oi_ref[...] = outi
    oa_ref[...] = outa


_DEG2RAD = 0.017453292519943295
_LONSTEP = 6.283185307179586 / 719.0


def _edge_body(x_ref, w1_ref, b1_ref, g1_ref, o1_ref,
               w2_ref, b2_ref, g2_ref, o2_ref, out_ref):
    x = x_ref[...]
    fi = x[0:1, :]
    d = x[1:2, :]
    rowf = jnp.floor((fi + 0.5) * (1.0 / _W))
    colf = fi - _W * rowf
    llat = (rowf * 0.5 - 90.0) * _DEG2RAD
    llon = colf * _LONSTEP
    la_deg = x[2:3, :]
    lo_deg = x[3:4, :]
    mask = (d <= _MASK_KM).astype(jnp.float32)
    c0 = llat - la_deg
    c1 = llon - lo_deg
    c3 = jnp.cos(llat - la_deg * _DEG2RAD)
    c4 = jnp.sin(llon - lo_deg * _DEG2RAD)
    zero = jnp.zeros_like(c0)
    c = jnp.concatenate([c0, c1, d, c3, c4, zero, zero, zero], axis=0)
    ct = jnp.transpose(c)
    maskt = jnp.transpose(mask)
    h = jnp.dot(ct, w1_ref[...], preferred_element_type=jnp.float32)
    h = jnp.maximum(h + b1_ref[...], 0.0)
    m1 = jnp.mean(h, axis=1, keepdims=True)
    v1 = jnp.mean((h - m1) ** 2, axis=1, keepdims=True)
    h = (h - m1) / jnp.sqrt(v1 + 1e-5) * g1_ref[...] + o1_ref[...]
    h = jnp.dot(h, w2_ref[...], preferred_element_type=jnp.float32)
    h = jnp.maximum(h + b2_ref[...], 0.0)
    m2 = jnp.mean(h, axis=1, keepdims=True)
    v2 = jnp.mean((h - m2) ** 2, axis=1, keepdims=True)
    h = (h - m2) / jnp.sqrt(v2 + 1e-5) * g2_ref[...] + o2_ref[...]
    out_ref[...] = h * maskt


def _node_body(a_ref, g_ref, mu_ref, sg_ref, w1_ref, b1_ref, g1_ref, o1_ref,
               w2_ref, b2_ref, g2_ref, o2_ref, out_ref):
    d = a_ref[...]
    mask = (d <= _MASK_KM).astype(jnp.float32)
    w = jnp.exp(-d / _MASK_KM) * mask
    sw = jnp.sum(w, axis=1, keepdims=True)
    w = w / (sw + 1e-7)
    swn = jnp.sum(w, axis=1, keepdims=True)
    agg = jnp.sum(g_ref[...] * w[:, :, None], axis=1)
    x = (agg - mu_ref[...] * swn) / (sg_ref[...] + 1e-7)
    h = jnp.dot(x, w1_ref[...], preferred_element_type=jnp.float32)
    h = jnp.maximum(h + b1_ref[...], 0.0)
    m1 = jnp.mean(h, axis=1, keepdims=True)
    v1 = jnp.mean((h - m1) ** 2, axis=1, keepdims=True)
    h = (h - m1) / jnp.sqrt(v1 + 1e-5) * g1_ref[...] + o1_ref[...]
    h = jnp.dot(h, w2_ref[...], preferred_element_type=jnp.float32)
    h = jnp.maximum(h + b2_ref[...], 0.0)
    m2 = jnp.mean(h, axis=1, keepdims=True)
    v2 = jnp.mean((h - m2) ** 2, axis=1, keepdims=True)
    h = (h - m2) / jnp.sqrt(v2 + 1e-5) * g2_ref[...] + o2_ref[...]
    out_ref[...] = h


def _sc_gather(table, idx):
    n_idx = idx.shape[0]
    n_workers = 32
    b_per_w = n_idx // n_workers
    chunk = 376
    n_chunks = b_per_w // chunk
    mesh = plsc.VectorSubcoreMesh(core_axis_name="c", subcore_axis_name="s")

    @functools.partial(
        pl.kernel, mesh=mesh,
        out_type=jax.ShapeDtypeStruct((n_idx, 128), jnp.float32),
        scratch_types=[
            pltpu.VMEM((chunk,), jnp.int32),
            pltpu.VMEM((chunk, 128), jnp.float32),
            pltpu.SemaphoreType.DMA,
        ],
    )
    def k(table_hbm, idx_hbm, out_hbm, idx_v, rows_v, sem):
        wid = lax.axis_index("s") * 2 + lax.axis_index("c")
        base = wid * b_per_w

        @pl.loop(0, n_chunks)
        def _(i):
            off = base + i * chunk
            pltpu.sync_copy(idx_hbm.at[pl.ds(off, chunk)], idx_v)
            pltpu.async_copy(table_hbm.at[idx_v], rows_v, sem).wait()
            pltpu.sync_copy(rows_v, out_hbm.at[pl.ds(off, chunk)])

    return k(table, idx)


def kernel(combined_data, ico_positions, input_means, input_stds,
           We1, be1, ge1, oe1, We2, be2, ge2, oe2,
           Wn1, bn1, gn1, on1, Wn2, bn2, gn2, on2):
    f32 = jnp.float32
    lat_grid = jnp.radians(jnp.linspace(-90.0, 90.0, _H, dtype=f32))
    lon_grid = jnp.radians(jnp.linspace(0.0, 360.0, _W, dtype=f32))
    ico_lat = jnp.radians(ico_positions[:, 0])
    ico_lon = jnp.radians(ico_positions[:, 1])
    lat_deg = ico_positions[:, 0]
    lon_deg = ico_positions[:, 1]
    crow = jnp.round((lat_deg + 90.0) * 2.0).astype(jnp.int32)
    start = jnp.clip(crow - 4, 0, _H - _NROW)
    ccol = jnp.clip(jnp.round(lon_deg * (719.0 / 360.0)).astype(jnp.int32), 0, _W - 1)
    colmap = jnp.mod(ccol[:, None] - 31 + jnp.arange(63, dtype=jnp.int32)[None, :], 719)
    colmap = jnp.concatenate(
        [colmap, jnp.full((_N, 1), _W - 1, jnp.int32)], axis=1)
    rows = start[:, None] + jnp.arange(_NROW, dtype=jnp.int32)[None, :]
    llatw = jnp.take(lat_grid, rows)
    slat2w = jnp.sin((llatw - ico_lat[:, None]) / 2) ** 2
    ccw = jnp.cos(ico_lat)[:, None] * jnp.cos(llatw)
    llonw = jnp.take(lon_grid, colmap)
    slon2w = jnp.sin((llonw - ico_lon[:, None]) / 2) ** 2

    def pad16(x, fill):
        return jnp.pad(x, ((0, 0), (0, 16 - _NROW)), constant_values=fill)

    slat_t = pad16(slat2w, 1e9)
    cc_t = pad16(ccw, 0.0)
    rowb_t = pad16((rows * _W).astype(f32), 500000.0)
    colf = colmap.astype(f32)

    def padn(x):
        return jnp.pad(x, ((0, _NPAD - _N),) + ((0, 0),) * (x.ndim - 1), mode="edge")

    slat_t, cc_t, rowb_t, slon_t, colf_t = map(padn, (slat_t, cc_t, rowb_t, slon2w, colf))

    bspec16 = pl.BlockSpec((_NB, 16), lambda i: (i, 0))
    bspec64 = pl.BlockSpec((_NB, _NCOL), lambda i: (i, 0))
    bspec_out = pl.BlockSpec((_NB, _K), lambda i: (i, 0))
    sel_f, sel_a = pl.pallas_call(
        _knn_body,
        grid=(_GRID,),
        in_specs=[bspec16, bspec16, bspec16, bspec64, bspec64],
        out_specs=[bspec_out, bspec_out],
        out_shape=[jax.ShapeDtypeStruct((_NPAD, _K), f32)] * 2,
    )(slat_t, cc_t, rowb_t, slon_t, colf_t)

    fi = sel_f.astype(jnp.int32)
    d = 2.0 * jnp.arcsin(jnp.sqrt(jnp.clip(sel_a, 0.0, 1.0))) * _R_EARTH

    table = jnp.pad(combined_data.reshape(78, -1), ((0, 50), (0, 0))).T
    gathered = _sc_gather(table, fi.reshape(-1))

    def pedge(node_arr):
        return jnp.repeat(jnp.pad(node_arr, (0, _NPAD - _N), mode="edge"), _K)

    X = jnp.stack([sel_f.reshape(-1), d.reshape(-1),
                   pedge(lat_deg), pedge(lon_deg)], axis=0)
    w1e = jnp.concatenate([We1, jnp.zeros((3, 256), f32)], axis=0)
    rowv = lambda v: v[None, :]
    wspec = lambda shp: pl.BlockSpec(shp, lambda i: (0, 0))
    ef = pl.pallas_call(
        _edge_body,
        grid=(_GRID,),
        in_specs=[pl.BlockSpec((4, _EB), lambda i: (0, i)),
                  wspec((8, 256)), wspec((1, 256)), wspec((1, 256)), wspec((1, 256)),
                  wspec((256, 256)), wspec((1, 256)), wspec((1, 256)), wspec((1, 256))],
        out_specs=pl.BlockSpec((_EB, 256), lambda i: (i, 0)),
        out_shape=jax.ShapeDtypeStruct((_N * _K, 256), f32),
    )(X, w1e, rowv(be1), rowv(ge1), rowv(oe1),
      We2, rowv(be2), rowv(ge2), rowv(oe2))
    edge_features = ef

    g3 = gathered.reshape(_NPAD, _K, 128)
    mu = jnp.pad(input_means, (0, 50))[None, :]
    sg = jnp.pad(input_stds, (0, 50), constant_values=1.0)[None, :]
    w1n = jnp.concatenate([Wn1, jnp.zeros((50, 256), f32)], axis=0)
    rspec = lambda shp: pl.BlockSpec(shp, lambda i: (0, 0))
    n_out = pl.pallas_call(
        _node_body,
        grid=(_GRID,),
        in_specs=[pl.BlockSpec((_NB, _K), lambda i: (i, 0)),
                  pl.BlockSpec((_NB, _K, 128), lambda i: (i, 0, 0)),
                  rspec((1, 128)), rspec((1, 128)),
                  rspec((128, 256)), rspec((1, 256)), rspec((1, 256)), rspec((1, 256)),
                  rspec((256, 256)), rspec((1, 256)), rspec((1, 256)), rspec((1, 256))],
        out_specs=pl.BlockSpec((_NB, 256), lambda i: (i, 0)),
        out_shape=jax.ShapeDtypeStruct((_N, 256), f32),
    )(d, g3, mu, sg, w1n, bn1[None, :], gn1[None, :], on1[None, :],
      Wn2, bn2[None, :], gn2[None, :], on2[None, :])
    n = n_out

    senders = jnp.repeat(jnp.arange(_N), _K)
    receivers = jnp.arange(_N)
    return n, edge_features, senders, receivers

# --- scband reference (transcript-rebuilt; emitter-appended) ---
"""Pipeline reference for scband-weather-gnnencoder-49254684950776 (READ-ONLY COPY).

The authoritative reference and input builder live on the scoring server;
editing this copy changes nothing except your own understanding.
"""

import jax, jax.numpy as jnp
import numpy as np

EARTH_RADIUS_IN_KM = 6371.0
MASK_RADIUS_IN_KM = 82.5
N_ICO = 5978
K_NEIGHBORS = 32
IN_CH = 78
OUT_CH = 256
H_GRID = 361
W_GRID = 720


def _layer_norm(x, g, o, eps=1e-5):
    m = jnp.mean(x, axis=-1, keepdims=True)
    v = jnp.mean((x - m) ** 2, axis=-1, keepdims=True)
    return (x - m) / jnp.sqrt(v + eps) * g + o


def _fibonacci_ico_positions(n):
    i = np.arange(n, dtype=np.float64)
    lat = np.degrees(np.arcsin(np.clip(1.0 - 2.0 * (i + 0.5) / n, -1.0, 1.0)))
    golden = (1.0 + 5.0 ** 0.5) / 2.0
    lon = np.mod(360.0 * i / golden, 360.0)
    return jnp.asarray(np.stack([lat, lon], axis=-1), dtype=jnp.float32)


def setup_inputs(seed: int = 0):
    key = jax.random.key(seed)
    ks = jax.random.split(key, 8)

    def lin_w(k, fi, fo):
        return jax.random.normal(k, (fi, fo), dtype=jnp.float32) * (fi ** -0.5)

    inp = {}
    inp['combined_data'] = jax.random.normal(ks[0], (IN_CH, H_GRID, W_GRID), dtype=jnp.float32)
    inp['ico_positions'] = _fibonacci_ico_positions(N_ICO)
    inp['input_means'] = jnp.zeros((IN_CH,), dtype=jnp.float32)
    inp['input_stds'] = jnp.ones((IN_CH,), dtype=jnp.float32)
    inp['We1'] = lin_w(ks[1], 5, 256)
    inp['be1'] = jnp.zeros((256,), dtype=jnp.float32)
    inp['ge1'] = jnp.ones((256,), dtype=jnp.float32)
    inp['oe1'] = jnp.zeros((256,), dtype=jnp.float32)
    inp['We2'] = lin_w(ks[2], 256, 256)
    inp['be2'] = jnp.zeros((256,), dtype=jnp.float32)
    inp['ge2'] = jnp.ones((256,), dtype=jnp.float32)
    inp['oe2'] = jnp.zeros((256,), dtype=jnp.float32)
    inp['Wn1'] = lin_w(ks[3], IN_CH, 256)
    inp['bn1'] = jnp.zeros((256,), dtype=jnp.float32)
    inp['gn1'] = jnp.ones((256,), dtype=jnp.float32)
    inp['on1'] = jnp.zeros((256,), dtype=jnp.float32)
    inp['Wn2'] = lin_w(ks[4], 256, OUT_CH)
    inp['bn2'] = jnp.zeros((OUT_CH,), dtype=jnp.float32)
    inp['gn2'] = jnp.ones((OUT_CH,), dtype=jnp.float32)
    inp['on2'] = jnp.zeros((OUT_CH,), dtype=jnp.float32)
    return inp


def _precompute_knn(ico_positions):
    lat_grid = jnp.radians(jnp.linspace(-90.0, 90.0, H_GRID, dtype=jnp.float32))
    lon_grid = jnp.radians(jnp.linspace(0.0, 360.0, W_GRID, dtype=jnp.float32))
    lat_mesh, lon_mesh = jnp.meshgrid(lat_grid, lon_grid, indexing='ij')
    flat_lat = lat_mesh.ravel()
    flat_lon = lon_mesh.ravel()
    ico_lat = jnp.radians(ico_positions[:, 0])
    ico_lon = jnp.radians(ico_positions[:, 1])

    def per_node(ll):
        la, lo = ll
        dlat = flat_lat - la
        dlon = flat_lon - lo
        a = jnp.sin(dlat / 2) ** 2 + jnp.cos(la) * jnp.cos(flat_lat) * jnp.sin(dlon / 2) ** 2
        central_angle = 2.0 * jnp.arcsin(jnp.sqrt(jnp.clip(a, 0.0, 1.0)))
        d = central_angle * EARTH_RADIUS_IN_KM
        neg_top, idx = jax.lax.top_k(-d, K_NEIGHBORS)
        dk = -neg_top
        llat = flat_lat[idx]
        llon = flat_lon[idx]
        coords = jnp.stack([
            llat - jnp.degrees(la),
            llon - jnp.degrees(lo),
            dk,
            jnp.cos(llat - la),
            jnp.sin(llon - lo),
        ], axis=-1)
        mask = (dk <= MASK_RADIUS_IN_KM).astype(jnp.float32)
        return idx, coords, dk, mask

    return jax.lax.map(per_node, (ico_lat, ico_lon))


def reference(combined_data, ico_positions, input_means, input_stds,
              We1, be1, ge1, oe1, We2, be2, ge2, oe2,
              Wn1, bn1, gn1, on1, Wn2, bn2, gn2, on2):
    idx, coords, dists, masks = _precompute_knn(ico_positions)
    flat_data = combined_data.reshape(IN_CH, -1)
    feats = jnp.take(flat_data, idx, axis=1)  # [C, N, K]
    feats = jnp.transpose(feats, (1, 2, 0))   # [N, K, C]
    normalized = (feats - input_means[jnp.newaxis, jnp.newaxis, :]) / (input_stds[jnp.newaxis, jnp.newaxis, :] + 1e-07)
    # edge MLP on local coordinates
    e = jax.nn.relu(coords @ We1 + be1)
    e = _layer_norm(e, ge1, oe1)
    e = jax.nn.relu(e @ We2 + be2)
    e = _layer_norm(e, ge2, oe2)
    edge_features = (e * masks[..., jnp.newaxis]).reshape(-1, OUT_CH)
    # distance-based aggregation weights
    w = jnp.exp(-dists / MASK_RADIUS_IN_KM) * masks
    w = w / (jnp.sum(w, axis=-1, keepdims=True) + 1e-07)
    aggregated = jnp.sum(normalized * w[..., jnp.newaxis], axis=1)  # [N, C]
    # node MLP
    n = jax.nn.relu(aggregated @ Wn1 + bn1)
    n = _layer_norm(n, gn1, on1)
    n = jax.nn.relu(n @ Wn2 + bn2)
    n = _layer_norm(n, gn2, on2)
    senders = jnp.repeat(jnp.arange(N_ICO), K_NEIGHBORS)
    receivers = jnp.arange(N_ICO)
    return n, edge_features, senders, receivers

if __name__ == "__main__":
    import jax
    _d = setup_inputs()
    print(jax.jit(kernel)(*tuple(_d.values())))

</pallas_src>

<mosaic_0001>
#map = affine_map<(d0, d1) -> (0, 0)>
#map1 = affine_map<(d0, d1) -> (0)>
module attributes {stable_mosaic.version = 14 : i64} {
  func.func @k(%arg0: i32, %arg1: i32, %arg2: memref<259920x128xf32, #tpu.memory_space<hbm>>, %arg3: memref<192512xi32, #tpu.memory_space<hbm>>, %arg4: memref<192512x128xf32, #tpu.memory_space<hbm>>, %arg5: memref<376xi32, #tpu.memory_space<vmem>>, %arg6: memref<376x128xf32, #tpu.memory_space<vmem>>, %arg7: memref<!tpu.dma_semaphore, #tpu.memory_space<semaphore_mem>>) attributes {dimension_semantics = [#tpu.dimension_semantics<core_parallel>, #tpu.dimension_semantics<subcore_parallel>], iteration_bounds = array<i64: 2, 16>, scalar_prefetch = 0 : i64, scratch_operands = 3 : i64, tpu.core_type = #tpu.core_type<sc_vector_subcore>, window_params = [{transform_indices = #map}, {transform_indices = #map1}, {transform_indices = #map}]} {
    %mul3A = arith.constant 2 : i32
    %mul3A_0 = arith.muli %arg1, %mul3A : i32
    %add3A = arith.addi %mul3A_0, %arg0 : i32
    %mul3A_1 = arith.constant 6016 : i32
    %mul3A_2 = arith.muli %add3A, %mul3A_1 : i32
    %scan3A = arith.constant 0 : i32
    %scan3A_3 = arith.constant 16 : i32
    %scan3A_4 = arith.addi %scan3A, %scan3A_3 : i32
    %scan3A_5 = arith.constant 1 : i32
    scf.for %scan3A_7 = %scan3A to %scan3A_4 step %scan3A_5  : i32 {
      %mul3A_8 = arith.constant 1 : i32
      %mul3A_9 = arith.muli %scan3A_7, %mul3A_8 : i32
      %add3A_10 = arith.constant 0 : i32
      %add3A_11 = arith.addi %add3A_10, %mul3A_9 : i32
      %mul3A_12 = arith.constant 376 : i32
      %mul3A_13 = arith.muli %add3A_11, %mul3A_12 : i32
      %add3A_14 = arith.addi %mul3A_2, %mul3A_13 : i32
      "tpu.region"() ({
        %run_scoped3A = tpu.sem_alloc : memref<!tpu.dma_semaphore, #tpu.memory_space<semaphore_mem>>
        %dma_start3A_19 = tpu.memref_slice %arg3[%add3A_14] : memref<192512xi32, #tpu.memory_space<hbm>> -> memref<376xi32, #tpu.memory_space<hbm>>
        %dma_start3A_20 = tpu.memref_slice %arg3[%add3A_14] : memref<192512xi32, #tpu.memory_space<hbm>> -> memref<376xi32, #tpu.memory_space<hbm>>
        tpu.enqueue_dma source(%dma_start3A_20 : memref<376xi32, #tpu.memory_space<hbm>>) target(%arg5 : memref<376xi32, #tpu.memory_space<vmem>>) target_semaphore(%run_scoped3A : memref<!tpu.dma_semaphore, #tpu.memory_space<semaphore_mem>>)
        %dma_wait3A_21 = tpu.memref_slice %arg3[%add3A_14] : memref<192512xi32, #tpu.memory_space<hbm>> -> memref<376xi32, #tpu.memory_space<hbm>>
        %dma_wait3A_22 = tpu.memref_slice %arg3[%add3A_14] : memref<192512xi32, #tpu.memory_space<hbm>> -> memref<376xi32, #tpu.memory_space<hbm>>
        tpu.wait_dma2 semaphore(%run_scoped3A : memref<!tpu.dma_semaphore, #tpu.memory_space<semaphore_mem>>) src(%dma_wait3A_22 : memref<376xi32, #tpu.memory_space<hbm>>) dst(%arg5 : memref<376xi32, #tpu.memory_space<vmem>>)
        tpu.yield
      }) : () -> ()
      %dma_start3A = arith.constant 0 : i32
      %dma_start3A_15 = arith.constant 0 : i32
      %dma_start3A_16 = tpu.memref_slice %arg2[%dma_start3A, %dma_start3A_15] : memref<259920x128xf32, #tpu.memory_space<hbm>> -> memref<259920x128xf32, #tpu.memory_space<hbm>>
      tpu.enqueue_indirect_dma source(%dma_start3A_16 : memref<259920x128xf32, #tpu.memory_space<hbm>>) target(%arg6 : memref<376x128xf32, #tpu.memory_space<vmem>>) offsets(%arg5 : memref<376xi32, #tpu.memory_space<vmem>>) semaphore(%arg7 : memref<!tpu.dma_semaphore, #tpu.memory_space<semaphore_mem>>)
      %dma_wait3A = arith.constant 0 : i32
      %dma_wait3A_17 = arith.constant 0 : i32
      %dma_wait3A_18 = tpu.memref_slice %arg2[%dma_wait3A, %dma_wait3A_17] : memref<259920x128xf32, #tpu.memory_space<hbm>> -> memref<259920x128xf32, #tpu.memory_space<hbm>>
      tpu.wait_indirect_dma semaphore(%arg7 : memref<!tpu.dma_semaphore, #tpu.memory_space<semaphore_mem>>) src(%dma_wait3A_18 : memref<259920x128xf32, #tpu.memory_space<hbm>>) dst(%arg6 : memref<376x128xf32, #tpu.memory_space<vmem>>)
      "tpu.region"() ({
        %run_scoped3A = tpu.sem_alloc : memref<!tpu.dma_semaphore, #tpu.memory_space<semaphore_mem>>
        %dma_start3A_19 = arith.constant 0 : i32
        %dma_start3A_20 = tpu.memref_slice %arg4[%add3A_14, %dma_start3A_19] : memref<192512x128xf32, #tpu.memory_space<hbm>> -> memref<376x128xf32, #tpu.memory_space<hbm>>
        %dma_start3A_21 = arith.constant 0 : i32
        %dma_start3A_22 = tpu.memref_slice %arg4[%add3A_14, %dma_start3A_21] : memref<192512x128xf32, #tpu.memory_space<hbm>> -> memref<376x128xf32, #tpu.memory_space<hbm>>
        tpu.enqueue_dma source(%arg6 : memref<376x128xf32, #tpu.memory_space<vmem>>) target(%dma_start3A_22 : memref<376x128xf32, #tpu.memory_space<hbm>>) target_semaphore(%run_scoped3A : memref<!tpu.dma_semaphore, #tpu.memory_space<semaphore_mem>>)
        %dma_wait3A_23 = arith.constant 0 : i32
        %dma_wait3A_24 = tpu.memref_slice %arg4[%add3A_14, %dma_wait3A_23] : memref<192512x128xf32, #tpu.memory_space<hbm>> -> memref<376x128xf32, #tpu.memory_space<hbm>>
        %dma_wait3A_25 = arith.constant 0 : i32
        %dma_wait3A_26 = tpu.memref_slice %arg4[%add3A_14, %dma_wait3A_25] : memref<192512x128xf32, #tpu.memory_space<hbm>> -> memref<376x128xf32, #tpu.memory_space<hbm>>
        tpu.wait_dma2 semaphore(%run_scoped3A : memref<!tpu.dma_semaphore, #tpu.memory_space<semaphore_mem>>) src(%arg6 : memref<376x128xf32, #tpu.memory_space<vmem>>) dst(%dma_wait3A_26 : memref<376x128xf32, #tpu.memory_space<hbm>>)
        tpu.yield
      }) : () -> ()
    }
    %scan3A_6 = arith.constant 16 : i32
    return
  }
}

module attributes {stable_mosaic.version = 14 : i64} {
  func.func @_knn_body(%arg0: i32, %arg1: memref<128x16xf32, #tpu.memory_space<vmem>>, %arg2: memref<128x16xf32, #tpu.memory_space<vmem>>, %arg3: memref<128x16xf32, #tpu.memory_space<vmem>>, %arg4: memref<128x64xf32, #tpu.memory_space<vmem>>, %arg5: memref<128x64xf32, #tpu.memory_space<vmem>>, %arg6: memref<128x32xf32, #tpu.memory_space<vmem>>, %arg7: memref<128x32xf32, #tpu.memory_space<vmem>>) attributes {dimension_semantics = [#tpu.dimension_semantics<arbitrary>], iteration_bounds = array<i64: 47>, scalar_prefetch = 0 : i64, scratch_operands = 0 : i64, tpu.core_type = #tpu.core_type<tc>, window_params = [{transform_indices = @transform_0, window_bounds = array<i64: 128, 16>}, {transform_indices = @transform_1, window_bounds = array<i64: 128, 16>}, {transform_indices = @transform_2, window_bounds = array<i64: 128, 16>}, {transform_indices = @transform_3, window_bounds = array<i64: 128, 64>}, {transform_indices = @transform_4, window_bounds = array<i64: 128, 64>}, {transform_indices = @transform_5, window_bounds = array<i64: 128, 32>}, {transform_indices = @transform_6, window_bounds = array<i64: 128, 32>}]} {
    %get3A = arith.constant 0 : index
    %get3A_0 = arith.constant 0 : index
    %get3A_1 = vector.load %arg4[%get3A, %get3A_0] : memref<128x64xf32, #tpu.memory_space<vmem>>, vector<128x64xf32>
    %get3A_2 = arith.constant 0 : index
    %get3A_3 = arith.constant 0 : index
    %get3A_4 = vector.load %arg5[%get3A_2, %get3A_3] : memref<128x64xf32, #tpu.memory_space<vmem>>, vector<128x64xf32>
    %get3A_5 = arith.constant 0 : index
    %get3A_6 = arith.constant 0 : index
    %get3A_7 = vector.load %arg1[%get3A_5, %get3A_6] : memref<128x16xf32, #tpu.memory_space<vmem>>, vector<128x1xf32>
    %get3A_8 = arith.constant 0 : index
    %get3A_9 = arith.constant 0 : index
    %get3A_10 = vector.load %arg2[%get3A_8, %get3A_9] : memref<128x16xf32, #tpu.memory_space<vmem>>, vector<128x1xf32>
    %mul3A = vector.broadcast %get3A_10 : vector<128x1xf32> to vector<128x64xf32>
    %mul3A_11 = arith.mulf %mul3A, %get3A_1 : vector<128x64xf32>
    %add3A = vector.broadcast %get3A_7 : vector<128x1xf32> to vector<128x64xf32>
    %add3A_12 = arith.addf %add3A, %mul3A_11 : vector<128x64xf32>
    %get3A_13 = arith.constant 0 : index
    %get3A_14 = arith.constant 1 : index
    %get3A_15 = vector.load %arg1[%get3A_13, %get3A_14] : memref<128x16xf32, #tpu.memory_space<vmem>>, vector<128x1xf32>
    %get3A_16 = arith.constant 0 : index
    %get3A_17 = arith.constant 1 : index
    %get3A_18 = vector.load %arg2[%get3A_16, %get3A_17] : memref<128x16xf32, #tpu.memory_space<vmem>>, vector<128x1xf32>
    %mul3A_19 = vector.broadcast %get3A_18 : vector<128x1xf32> to vector<128x64xf32>
    %mul3A_20 = arith.mulf %mul3A_19, %get3A_1 : vector<128x64xf32>
    %add3A_21 = vector.broadcast %get3A_15 : vector<128x1xf32> to vector<128x64xf32>
    %add3A_22 = arith.addf %add3A_21, %mul3A_20 : vector<128x64xf32>
    %get3A_23 = arith.constant 0 : index
    %get3A_24 = arith.constant 2 : index
    %get3A_25 = vector.load %arg1[%get3A_23, %get3A_24] : memref<128x16xf32, #tpu.memory_space<vmem>>, vector<128x1xf32>
    %get3A_26 = arith.constant 0 : index
    %get3A_27 = arith.constant 2 : index
    %get3A_28 = vector.load %arg2[%get3A_26, %get3A_27] : memref<128x16xf32, #tpu.memory_space<vmem>>, vector<128x1xf32>
    %mul3A_29 = vector.broadcast %get3A_28 : vector<128x1xf32> to vector<128x64xf32>
    %mul3A_30 = arith.mulf %mul3A_29, %get3A_1 : vector<128x64xf32>
    %add3A_31 = vector.broadcast %get3A_25 : vector<128x1xf32> to vector<128x64xf32>
    %add3A_32 = arith.addf %add3A_31, %mul3A_30 : vector<128x64xf32>
    %get3A_33 = arith.constant 0 : index
    %get3A_34 = arith.constant 3 : index
    %get3A_35 = vector.load %arg1[%get3A_33, %get3A_34] : memref<128x16xf32, #tpu.memory_space<vmem>>, vector<128x1xf32>
    %get3A_36 = arith.constant 0 : index
    %get3A_37 = arith.constant 3 : index
    %get3A_38 = vector.load %arg2[%get3A_36, %get3A_37] : memref<128x16xf32, #tpu.memory_space<vmem>>, vector<128x1xf32>
    %mul3A_39 = vector.broadcast %get3A_38 : vector<128x1xf32> to vector<128x64xf32>
    %mul3A_40 = arith.mulf %mul3A_39, %get3A_1 : vector<128x64xf32>
    %add3A_41 = vector.broadcast %get3A_35 : vector<128x1xf32> to vector<128x64xf32>
    %add3A_42 = arith.addf %add3A_41, %mul3A_40 : vector<128x64xf32>
    %get3A_43 = arith.constant 0 : index
    %get3A_44 = arith.constant 4 : index
    %get3A_45 = vector.load %arg1[%get3A_43, %get3A_44] : memref<128x16xf32, #tpu.memory_space<vmem>>, vector<128x1xf32>
    %get3A_46 = arith.constant 0 : index
    %get3A_47 = arith.constant 4 : index
    %get3A_48 = vector.load %arg2[%get3A_46, %get3A_47] : memref<128x16xf32, #tpu.memory_space<vmem>>, vector<128x1xf32>
    %mul3A_49 = vector.broadcast %get3A_48 : vector<128x1xf32> to vector<128x64xf32>
    %mul3A_50 = arith.mulf %mul3A_49, %get3A_1 : vector<128x64xf32>
    %add3A_51 = vector.broadcast %get3A_45 : vector<128x1xf32> to vector<128x64xf32>
    %add3A_52 = arith.addf %add3A_51, %mul3A_50 : vector<128x64xf32>
    %get3A_53 = arith.constant 0 : index
    %get3A_54 = arith.constant 5 : index
    %get3A_55 = vector.load %arg1[%get3A_53, %get3A_54] : memref<128x16xf32, #tpu.memory_space<vmem>>, vector<128x1xf32>
    %get3A_56 = arith.constant 0 : index
    %get3A_57 = arith.constant 5 : index
    %get3A_58 = vector.load %arg2[%get3A_56, %get3A_57] : memref<128x16xf32, #tpu.memory_space<vmem>>, vector<128x1xf32>
    %mul3A_59 = vector.broadcast %get3A_58 : vector<128x1xf32> to vector<128x64xf32>
    %mul3A_60 = arith.mulf %mul3A_59, %get3A_1 : vector<128x64xf32>
    %add3A_61 = vector.broadcast %get3A_55 : vector<128x1xf32> to vector<128x64xf32>
    %add3A_62 = arith.addf %add3A_61, %mul3A_60 : vector<128x64xf32>
    %get3A_63 = arith.constant 0 : index
    %get3A_64 = arith.constant 6 : index
    %get3A_65 = vector.load %arg1[%get3A_63, %get3A_64] : memref<128x16xf32, #tpu.memory_space<vmem>>, vector<128x1xf32>
    %get3A_66 = arith.constant 0 : index
    %get3A_67 = arith.constant 6 : index
    %get3A_68 = vector.load %arg2[%get3A_66, %get3A_67] : memref<128x16xf32, #tpu.memory_space<vmem>>, vector<128x1xf32>
    %mul3A_69 = vector.broadcast %get3A_68 : vector<128x1xf32> to vector<128x64xf32>
    %mul3A_70 = arith.mulf %mul3A_69, %get3A_1 : vector<128x64xf32>
    %add3A_71 = vector.broadcast %get3A_65 : vector<128x1xf32> to vector<128x64xf32>
    %add3A_72 = arith.addf %add3A_71, %mul3A_70 : vector<128x64xf32>
    %get3A_73 = arith.constant 0 : index
    %get3A_74 = arith.constant 7 : index
    %get3A_75 = vector.load %arg1[%get3A_73, %get3A_74] : memref<128x16xf32, #tpu.memory_space<vmem>>, vector<128x1xf32>
    %get3A_76 = arith.constant 0 : index
    %get3A_77 = arith.constant 7 : index
    %get3A_78 = vector.load %arg2[%get3A_76, %get3A_77] : memref<128x16xf32, #tpu.memory_space<vmem>>, vector<128x1xf32>
    %mul3A_79 = vector.broadcast %get3A_78 : vector<128x1xf32> to vector<128x64xf32>
    %mul3A_80 = arith.mulf %mul3A_79, %get3A_1 : vector<128x64xf32>
    %add3A_81 = vector.broadcast %get3A_75 : vector<128x1xf32> to vector<128x64xf32>
    %add3A_82 = arith.addf %add3A_81, %mul3A_80 : vector<128x64xf32>
    %get3A_83 = arith.constant 0 : index
    %get3A_84 = arith.constant 8 : index
    %get3A_85 = vector.load %arg1[%get3A_83, %get3A_84] : memref<128x16xf32, #tpu.memory_space<vmem>>, vector<128x1xf32>
    %get3A_86 = arith.constant 0 : index
    %get3A_87 = arith.constant 8 : index
    %get3A_88 = vector.load %arg2[%get3A_86, %get3A_87] : memref<128x16xf32, #tpu.memory_space<vmem>>, vector<128x1xf32>
    %mul3A_89 = vector.broadcast %get3A_88 : vector<128x1xf32> to vector<128x64xf32>
    %mul3A_90 = arith.mulf %mul3A_89, %get3A_1 : vector<128x64xf32>
    %add3A_91 = vector.broadcast %get3A_85 : vector<128x1xf32> to vector<128x64xf32>
    %add3A_92 = arith.addf %add3A_91, %mul3A_90 : vector<128x64xf32>
    %broadcast_in_dim3A = arith.constant 1.000000e+09 : f32
    %broadcast_in_dim3A_93 = vector.broadcast %broadcast_in_dim3A : f32 to vector<128x64xf32>
    %get3A_94 = arith.constant 0 : index
    %get3A_95 = arith.constant 0 : index
    %get3A_96 = vector.load %arg3[%get3A_94, %get3A_95] : memref<128x16xf32, #tpu.memory_space<vmem>>, vector<128x1xf32>
    %add3A_97 = vector.broadcast %get3A_96 : vector<128x1xf32> to vector<128x64xf32>
    %add3A_98 = arith.addf %add3A_97, %get3A_4 : vector<128x64xf32>
    %get3A_99 = arith.constant 0 : index
    %get3A_100 = arith.constant 1 : index
    %get3A_101 = vector.load %arg3[%get3A_99, %get3A_100] : memref<128x16xf32, #tpu.memory_space<vmem>>, vector<128x1xf32>
    %add3A_102 = vector.broadcast %get3A_101 : vector<128x1xf32> to vector<128x64xf32>
    %add3A_103 = arith.addf %add3A_102, %get3A_4 : vector<128x64xf32>
    %get3A_104 = arith.constant 0 : index
    %get3A_105 = arith.constant 2 : index
    %get3A_106 = vector.load %arg3[%get3A_104, %get3A_105] : memref<128x16xf32, #tpu.memory_space<vmem>>, vector<128x1xf32>
    %add3A_107 = vector.broadcast %get3A_106 : vector<128x1xf32> to vector<128x64xf32>
    %add3A_108 = arith.addf %add3A_107, %get3A_4 : vector<128x64xf32>
    %get3A_109 = arith.constant 0 : index
    %get3A_110 = arith.constant 3 : index
    %get3A_111 = vector.load %arg3[%get3A_109, %get3A_110] : memref<128x16xf32, #tpu.memory_space<vmem>>, vector<128x1xf32>
    %add3A_112 = vector.broadcast %get3A_111 : vector<128x1xf32> to vector<128x64xf32>
    %add3A_113 = arith.addf %add3A_112, %get3A_4 : vector<128x64xf32>
    %get3A_114 = arith.constant 0 : index
    %get3A_115 = arith.constant 4 : index
    %get3A_116 = vector.load %arg3[%get3A_114, %get3A_115] : memref<128x16xf32, #tpu.memory_space<vmem>>, vector<128x1xf32>
    %add3A_117 = vector.broadcast %get3A_116 : vector<128x1xf32> to vector<128x64xf32>
    %add3A_118 = arith.addf %add3A_117, %get3A_4 : vector<128x64xf32>
    %get3A_119 = arith.constant 0 : index
    %get3A_120 = arith.constant 5 : index
    %get3A_121 = vector.load %arg3[%get3A_119, %get3A_120] : memref<128x16xf32, #tpu.memory_space<vmem>>, vector<128x1xf32>
    %add3A_122 = vector.broadcast %get3A_121 : vector<128x1xf32> to vector<128x64xf32>
    %add3A_123 = arith.addf %add3A_122, %get3A_4 : vector<128x64xf32>
    %get3A_124 = arith.constant 0 : index
    %get3A_125 = arith.constant 6 : index
    %get3A_126 = vector.load %arg3[%get3A_124, %get3A_125] : memref<128x16xf32, #tpu.memory_space<vmem>>, vector<128x1xf32>
    %add3A_127 = vector.broadcast %get3A_126 : vector<128x1xf32> to vector<128x64xf32>
    %add3A_128 = arith.addf %add3A_127, %get3A_4 : vector<128x64xf32>
    %get3A_129 = arith.constant 0 : index
    %get3A_130 = arith.constant 7 : index
    %get3A_131 = vector.load %arg3[%get3A_129, %get3A_130] : memref<128x16xf32, #tpu.memory_space<vmem>>, vector<128x1xf32>
    %add3A_132 = vector.broadcast %get3A_131 : vector<128x1xf32> to vector<128x64xf32>
    %add3A_133 = arith.addf %add3A_132, %get3A_4 : vector<128x64xf32>
    %get3A_134 = arith.constant 0 : index
    %get3A_135 = arith.constant 8 : index
    %get3A_136 = vector.load %arg3[%get3A_134, %get3A_135] : memref<128x16xf32, #tpu.memory_space<vmem>>, vector<128x1xf32>
    %add3A_137 = vector.broadcast %get3A_136 : vector<128x1xf32> to vector<128x64xf32>
    %add3A_138 = arith.addf %add3A_137, %get3A_4 : vector<128x64xf32>
    %add3A_139 = arith.constant 4.000000e+05 : f32
    %add3A_140 = vector.broadcast %add3A_139 : f32 to vector<128x64xf32>
    %add3A_141 = arith.addf %add3A_140, %get3A_4 : vector<128x64xf32>
    %concatenate3A = tpu.concatenate %add3A_12, %add3A_22, %add3A_32, %add3A_42, %add3A_52, %add3A_62, %add3A_72, %add3A_82, %add3A_92, %broadcast_in_dim3A_93 in 1 : vector<128x64xf32>, vector<128x64xf32>, vector<128x64xf32>, vector<128x64xf32>, vector<128x64xf32>, vector<128x64xf32>, vector<128x64xf32>, vector<128x64xf32>, vector<128x64xf32>, vector<128x64xf32> -> vector<128x640xf32>
    %concatenate3A_142 = tpu.concatenate %add3A_98, %add3A_103, %add3A_108, %add3A_113, %add3A_118, %add3A_123, %add3A_128, %add3A_133, %add3A_138, %add3A_141 in 1 : vector<128x64xf32>, vector<128x64xf32>, vector<128x64xf32>, vector<128x64xf32>, vector<128x64xf32>, vector<128x64xf32>, vector<128x64xf32>, vector<128x64xf32>, vector<128x64xf32>, vector<128x64xf32> -> vector<128x640xf32>
    %iota3A = tpu.iota {dimensions = array<i32: 1>} : vector<128x32xi32>
    %broadcast_in_dim3A_143 = arith.constant 0.000000e+00 : f32
    %broadcast_in_dim3A_144 = vector.broadcast %broadcast_in_dim3A_143 : f32 to vector<128x32xf32>
    %broadcast_in_dim3A_145 = arith.constant 0.000000e+00 : f32
    %broadcast_in_dim3A_146 = vector.broadcast %broadcast_in_dim3A_145 : f32 to vector<128x32xf32>
    %reduce_min3A = arith.constant dense<0x7F800000> : vector<128xf32>
    %reduce_min3A_147 = vector.multi_reduction <minimumf>, %concatenate3A, %reduce_min3A [1] : vector<128x640xf32> to vector<128xf32>
    %broadcast_in_dim3A_148 = vector.shape_cast %reduce_min3A_147 : vector<128xf32> to vector<128x1xf32>
    %eq3A = vector.broadcast %broadcast_in_dim3A_148 : vector<128x1xf32> to vector<128x640xf32>
    %eq3A_149 = arith.cmpf oeq, %concatenate3A, %eq3A : vector<128x640xf32>
    %jit3A = arith.constant 1.000000e+09 : f32
    %broadcast_in_dim3A_150 = vector.broadcast %jit3A : f32 to vector<128x640xf32>
    %select_n3A = arith.select %eq3A_149, %concatenate3A_142, %broadcast_in_dim3A_150 : vector<128x640xi1>, vector<128x640xf32>
    %reduce_min3A_151 = arith.constant dense<0x7F800000> : vector<128xf32>
    %reduce_min3A_152 = vector.multi_reduction <minimumf>, %select_n3A, %reduce_min3A_151 [1] : vector<128x640xf32> to vector<128xf32>
    %broadcast_in_dim3A_153 = vector.shape_cast %reduce_min3A_152 : vector<128xf32> to vector<128x1xf32>
    %eq3A_154 = arith.constant 0 : i32
    %eq3A_155 = vector.broadcast %eq3A_154 : i32 to vector<128x32xi32>
    %eq3A_156 = arith.cmpi eq, %iota3A, %eq3A_155 : vector<128x32xi32>
    %broadcast_in_dim3A_157 = vector.shape_cast %broadcast_in_dim3A_153 : vector<128x1xf32> to vector<128x1xf32>
    %broadcast_in_dim3A_158 = vector.broadcast %broadcast_in_dim3A_157 : vector<128x1xf32> to vector<128x32xf32>
    %select_n3A_159 = arith.select %eq3A_156, %broadcast_in_dim3A_158, %broadcast_in_dim3A_144 : vector<128x32xi1>, vector<128x32xf32>
    %eq3A_160 = arith.constant 0 : i32
    %eq3A_161 = vector.broadcast %eq3A_160 : i32 to vector<128x32xi32>
    %eq3A_162 = arith.cmpi eq, %iota3A, %eq3A_161 : vector<128x32xi32>
    %broadcast_in_dim3A_163 = vector.shape_cast %broadcast_in_dim3A_148 : vector<128x1xf32> to vector<128x1xf32>
    %broadcast_in_dim3A_164 = vector.broadcast %broadcast_in_dim3A_163 : vector<128x1xf32> to vector<128x32xf32>
    %select_n3A_165 = arith.select %eq3A_162, %broadcast_in_dim3A_164, %broadcast_in_dim3A_146 : vector<128x32xi1>, vector<128x32xf32>
    %eq3A_166 = vector.broadcast %broadcast_in_dim3A_153 : vector<128x1xf32> to vector<128x640xf32>
    %eq3A_167 = arith.cmpf oeq, %concatenate3A_142, %eq3A_166 : vector<128x640xf32>
    %jit3A_168 = arith.constant 1.000000e+30 : f32
    %broadcast_in_dim3A_169 = vector.broadcast %jit3A_168 : f32 to vector<128x640xf32>
    %select_n3A_170 = arith.select %eq3A_167, %broadcast_in_dim3A_169, %concatenate3A : vector<128x640xi1>, vector<128x640xf32>
    %reduce_min3A_171 = arith.constant dense<0x7F800000> : vector<128xf32>
    %reduce_min3A_172 = vector.multi_reduction <minimumf>, %select_n3A_170, %reduce_min3A_171 [1] : vector<128x640xf32> to vector<128xf32>
    %broadcast_in_dim3A_173 = vector.shape_cast %reduce_min3A_172 : vector<128xf32> to vector<128x1xf32>
    %eq3A_174 = vector.broadcast %broadcast_in_dim3A_173 : vector<128x1xf32> to vector<128x640xf32>
    %eq3A_175 = arith.cmpf oeq, %select_n3A_170, %eq3A_174 : vector<128x640xf32>
    %jit3A_176 = arith.constant 1.000000e+09 : f32
    %broadcast_in_dim3A_177 = vector.broadcast %jit3A_176 : f32 to vector<128x640xf32>
    %select_n3A_178 = arith.select %eq3A_175, %concatenate3A_142, %broadcast_in_dim3A_177 : vector<128x640xi1>, vector<128x640xf32>
    %reduce_min3A_179 = arith.constant dense<0x7F800000> : vector<128xf32>
    %reduce_min3A_180 = vector.multi_reduction <minimumf>, %select_n3A_178, %reduce_min3A_179 [1] : vector<128x640xf32> to vector<128xf32>
    %broadcast_in_dim3A_181 = vector.shape_cast %reduce_min3A_180 : vector<128xf32> to vector<128x1xf32>
    %eq3A_182 = arith.constant 1 : i32
    %eq3A_183 = vector.broadcast %eq3A_182 : i32 to vector<128x32xi32>
    %eq3A_184 = arith.cmpi eq, %iota3A, %eq3A_183 : vector<128x32xi32>
    %broadcast_in_dim3A_185 = vector.shape_cast %broadcast_in_dim3A_181 : vector<128x1xf32> to vector<128x1xf32>
    %broadcast_in_dim3A_186 = vector.broadcast %broadcast_in_dim3A_185 : vector<128x1xf32> to vector<128x32xf32>
    %select_n3A_187 = arith.select %eq3A_184, %broadcast_in_dim3A_186, %select_n3A_159 : vector<128x32xi1>, vector<128x32xf32>
    %eq3A_188 = arith.constant 1 : i32
    %eq3A_189 = vector.broadcast %eq3A_188 : i32 to vector<128x32xi32>
    %eq3A_190 = arith.cmpi eq, %iota3A, %eq3A_189 : vector<128x32xi32>
    %broadcast_in_dim3A_191 = vector.shape_cast %broadcast_in_dim3A_173 : vector<128x1xf32> to vector<128x1xf32>
    %broadcast_in_dim3A_192 = vector.broadcast %broadcast_in_dim3A_191 : vector<128x1xf32> to vector<128x32xf32>
    %select_n3A_193 = arith.select %eq3A_190, %broadcast_in_dim3A_192, %select_n3A_165 : vector<128x32xi1>, vector<128x32xf32>
    %eq3A_194 = vector.broadcast %broadcast_in_dim3A_181 : vector<128x1xf32> to vector<128x640xf32>
    %eq3A_195 = arith.cmpf oeq, %concatenate3A_142, %eq3A_194 : vector<128x640xf32>
    %jit3A_196 = arith.constant 1.000000e+30 : f32
    %broadcast_in_dim3A_197 = vector.broadcast %jit3A_196 : f32 to vector<128x640xf32>
    %select_n3A_198 = arith.select %eq3A_195, %broadcast_in_dim3A_197, %select_n3A_170 : vector<128x640xi1>, vector<128x640xf32>
    %reduce_min3A_199 = arith.constant dense<0x7F800000> : vector<128xf32>
    %reduce_min3A_200 = vector.multi_reduction <minimumf>, %select_n3A_198, %reduce_min3A_199 [1] : vector<128x640xf32> to vector<128xf32>
    %broadcast_in_dim3A_201 = vector.shape_cast %reduce_min3A_200 : vector<128xf32> to vector<128x1xf32>
    %eq3A_202 = vector.broadcast %broadcast_in_dim3A_201 : vector<128x1xf32> to vector<128x640xf32>
    %eq3A_203 = arith.cmpf oeq, %select_n3A_198, %eq3A_202 : vector<128x640xf32>
    %jit3A_204 = arith.constant 1.000000e+09 : f32
    %broadcast_in_dim3A_205 = vector.broadcast %jit3A_204 : f32 to vector<128x640xf32>
    %select_n3A_206 = arith.select %eq3A_203, %concatenate3A_142, %broadcast_in_dim3A_205 : vector<128x640xi1>, vector<128x640xf32>
    %reduce_min3A_207 = arith.constant dense<0x7F800000> : vector<128xf32>
    %reduce_min3A_208 = vector.multi_reduction <minimumf>, %select_n3A_206, %reduce_min3A_207 [1] : vector<128x640xf32> to vector<128xf32>
    %broadcast_in_dim3A_209 = vector.shape_cast %reduce_min3A_208 : vector<128xf32> to vector<128x1xf32>
    %eq3A_210 = arith.constant 2 : i32
    %eq3A_211 = vector.broadcast %eq3A_210 : i32 to vector<128x32xi32>
    %eq3A_212 = arith.cmpi eq, %iota3A, %eq3A_211 : vector<128x32xi32>
    %broadcast_in_dim3A_213 = vector.shape_cast %broadcast_in_dim3A_209 : vector<128x1xf32> to vector<128x1xf32>
    %broadcast_in_dim3A_214 = vector.broadcast %broadcast_in_dim3A_213 : vector<128x1xf32> to vector<128x32xf32>
    %select_n3A_215 = arith.select %eq3A_212, %broadcast_in_dim3A_214, %select_n3A_187 : vector<128x32xi1>, vector<128x32xf32>
    %eq3A_216 = arith.constant 2 : i32
    %eq3A_217 = vector.broadcast %eq3A_216 : i32 to vector<128x32xi32>
    %eq3A_218 = arith.cmpi eq, %iota3A, %eq3A_217 : vector<128x32xi32>
    %broadcast_in_dim3A_219 = vector.shape_cast %broadcast_in_dim3A_201 : vector<128x1xf32> to vector<128x1xf32>
    %broadcast_in_dim3A_220 = vector.broadcast %broadcast_in_dim3A_219 : vector<128x1xf32> to vector<128x32xf32>
    %select_n3A_221 = arith.select %eq3A_218, %broadcast_in_dim3A_220, %select_n3A_193 : vector<128x32xi1>, vector<128x32xf32>
    %eq3A_222 = vector.broadcast %broadcast_in_dim3A_209 : vector<128x1xf32> to vector<128x640xf32>
    %eq3A_223 = arith.cmpf oeq, %concatenate3A_142, %eq3A_222 : vector<128x640xf32>
    %jit3A_224 = arith.constant 1.000000e+30 : f32
    %broadcast_in_dim3A_225 = vector.broadcast %jit3A_224 : f32 to vector<128x640xf32>
    %select_n3A_226 = arith.select %eq3A_223, %broadcast_in_dim3A_225, %select_n3A_198 : vector<128x640xi1>, vector<128x640xf32>
    %reduce_min3A_227 = arith.constant dense<0x7F800000> : vector<128xf32>
    %reduce_min3A_228 = vector.multi_reduction <minimumf>, %select_n3A_226, %reduce_min3A_227 [1] : vector<128x640xf32> to vector<128xf32>
    %broadcast_in_dim3A_229 = vector.shape_cast %reduce_min3A_228 : vector<128xf32> to vector<128x1xf32>
    %eq3A_230 = vector.broadcast %broadcast_in_dim3A_229 : vector<128x1xf32> to vector<128x640xf32>
    %eq3A_231 = arith.cmpf oeq, %select_n3A_226, %eq3A_230 : vector<128x640xf32>
    %jit3A_232 = arith.constant 1.000000e+09 : f32
    %broadcast_in_dim3A_233 = vector.broadcast %jit3A_232 : f32 to vector<128x640xf32>
    %select_n3A_234 = arith.select %eq3A_231, %concatenate3A_142, %broadcast_in_dim3A_233 : vector<128x640xi1>, vector<128x640xf32>
    %reduce_min3A_235 = arith.constant dense<0x7F800000> : vector<128xf32>
    %reduce_min3A_236 = vector.multi_reduction <minimumf>, %select_n3A_234, %reduce_min3A_235 [1] : vector<128x640xf32> to vector<128xf32>
    %broadcast_in_dim3A_237 = vector.shape_cast %reduce_min3A_236 : vector<128xf32> to vector<128x1xf32>
    %eq3A_238 = arith.constant 3 : i32
    %eq3A_239 = vector.broadcast %eq3A_238 : i32 to vector<128x32xi32>
    %eq3A_240 = arith.cmpi eq, %iota3A, %eq3A_239 : vector<128x32xi32>
    %broadcast_in_dim3A_241 = vector.shape_cast %broadcast_in_dim3A_237 : vector<128x1xf32> to vector<128x1xf32>
    %broadcast_in_dim3A_242 = vector.broadcast %broadcast_in_dim3A_241 : vector<128x1xf32> to vector<128x32xf32>
    %select_n3A_243 = arith.select %eq3A_240, %broadcast_in_dim3A_242, %select_n3A_215 : vector<128x32xi1>, vector<128x32xf32>
    %eq3A_244 = arith.constant 3 : i32
    %eq3A_245 = vector.broadcast %eq3A_244 : i32 to vector<128x32xi32>
    %eq3A_246 = arith.cmpi eq, %iota3A, %eq3A_245 : vector<128x32xi32>
    %broadcast_in_dim3A_247 = vector.shape_cast %broadcast_in_dim3A_229 : vector<128x1xf32> to vector<128x1xf32>
    %broadcast_in_dim3A_248 = vector.broadcast %broadcast_in_dim3A_247 : vector<128x1xf32> to vector<128x32xf32>
    %select_n3A_249 = arith.select %eq3A_246, %broadcast_in_dim3A_248, %select_n3A_221 : vector<128x32xi1>, vector<128x32xf32>
    %eq3A_250 = vector.broadcast %broadcast_in_dim3A_237 : vector<128x1xf32> to vector<128x640xf32>
    %eq3A_251 = arith.cmpf oeq, %concatenate3A_142, %eq3A_250 : vector<128x640xf32>
    %jit3A_252 = arith.constant 1.000000e+30 : f32
    %broadcast_in_dim3A_253 = vector.broadcast %jit3A_252 : f32 to vector<128x640xf32>
    %select_n3A_254 = arith.select %eq3A_251, %broadcast_in_dim3A_253, %select_n3A_226 : vector<128x640xi1>, vector<128x640xf32>
    %reduce_min3A_255 = arith.constant dense<0x7F800000> : vector<128xf32>
    %reduce_min3A_256 = vector.multi_reduction <minimumf>, %select_n3A_254, %reduce_min3A_255 [1] : vector<128x640xf32> to vector<128xf32>
    %broadcast_in_dim3A_257 = vector.shape_cast %reduce_min3A_256 : vector<128xf32> to vector<128x1xf32>
    %eq3A_258 = vector.broadcast %broadcast_in_dim3A_257 : vector<128x1xf32> to vector<128x640xf32>
    %eq3A_259 = arith.cmpf oeq, %select_n3A_254, %eq3A_258 : vector<128x640xf32>
    %jit3A_260 = arith.constant 1.000000e+09 : f32
    %broadcast_in_dim3A_261 = vector.broadcast %jit3A_260 : f32 to vector<128x640xf32>
    %select_n3A_262 = arith.select %eq3A_259, %concatenate3A_142, %broadcast_in_dim3A_261 : vector<128x640xi1>, vector<128x640xf32>
    %reduce_min3A_263 = arith.constant dense<0x7F800000> : vector<128xf32>
    %reduce_min3A_264 = vector.multi_reduction <minimumf>, %select_n3A_262, %reduce_min3A_263 [1] : vector<128x640xf32> to vector<128xf32>
    %broadcast_in_dim3A_265 = vector.shape_cast %reduce_min3A_264 : vector<128xf32> to vector<128x1xf32>
    %eq3A_266 = arith.constant 4 : i32
    %eq3A_267 = vector.broadcast %eq3A_266 : i32 to vector<128x32xi32>
    %eq3A_268 = arith.cmpi eq, %iota3A, %eq3A_267 : vector<128x32xi32>
    %broadcast_in_dim3A_269 = vector.shape_cast %broadcast_in_dim3A_265 : vector<128x1xf32> to vector<128x1xf32>
    %broadcast_in_dim3A_270 = vector.broadcast %broadcast_in_dim3A_269 : vector<128x1xf32> to vector<128x32xf32>
    %select_n3A_271 = arith.select %eq3A_268, %broadcast_in_dim3A_270, %select_n3A_243 : vector<128x32xi1>, vector<128x32xf32>
    %eq3A_272 = arith.constant 4 : i32
    %eq3A_273 = vector.broadcast %eq3A_272 : i32 to vector<128x32xi32>
    %eq3A_274 = arith.cmpi eq, %iota3A, %eq3A_273 : vector<128x32xi32>
    %broadcast_in_dim3A_275 = vector.shape_cast %broadcast_in_dim3A_257 : vector<128x1xf32> to vector<128x1xf32>
    %broadcast_in_dim3A_276 = vector.broadcast %broadcast_in_dim3A_275 : vector<128x1xf32> to vector<128x32xf32>
    %select_n3A_277 = arith.select %eq3A_274, %broadcast_in_dim3A_276, %select_n3A_249 : vector<128x32xi1>, vector<128x32xf32>
    %eq3A_278 = vector.broadcast %broadcast_in_dim3A_265 : vector<128x1xf32> to vector<128x640xf32>
    %eq3A_279 = arith.cmpf oeq, %concatenate3A_142, %eq3A_278 : vector<128x640xf32>
    %jit3A_280 = arith.constant 1.000000e+30 : f32
    %broadcast_in_dim3A_281 = vector.broadcast %jit3A_280 : f32 to vector<128x640xf32>
    %select_n3A_282 = arith.select %eq3A_279, %broadcast_in_dim3A_281, %select_n3A_254 : vector<128x640xi1>, vector<128x640xf32>
    %reduce_min3A_283 = arith.constant dense<0x7F800000> : vector<128xf32>
    %reduce_min3A_284 = vector.multi_reduction <minimumf>, %select_n3A_282, %reduce_min3A_283 [1] : vector<128x640xf32> to vector<128xf32>
    %broadcast_in_dim3A_285 = vector.shape_cast %reduce_min3A_284 : vector<128xf32> to vector<128x1xf32>
    %eq3A_286 = vector.broadcast %broadcast_in_dim3A_285 : vector<128x1xf32> to vector<128x640xf32>
    %eq3A_287 = arith.cmpf oeq, %select_n3A_282, %eq3A_286 : vector<128x640xf32>
    %jit3A_288 = arith.constant 1.000000e+09 : f32
    %broadcast_in_dim3A_289 = vector.broadcast %jit3A_288 : f32 to vector<128x640xf32>
    %select_n3A_290 = arith.select %eq3A_287, %concatenate3A_142, %broadcast_in_dim3A_289 : vector<128x640xi1>, vector<128x640xf32>
    %reduce_min3A_291 = arith.constant dense<0x7F800000> : vector<128xf32>
    %reduce_min3A_292 = vector.multi_reduction <minimumf>, %select_n3A_290, %reduce_min3A_291 [1] : vector<128x640xf32> to vector<128xf32>
    %broadcast_in_dim3A_293 = vector.shape_cast %reduce_min3A_292 : vector<128xf32> to vector<128x1xf32>
    %eq3A_294 = arith.constant 5 : i32
    %eq3A_295 = vector.broadcast %eq3A_294 : i32 to vector<128x32xi32>
    %eq3A_296 = arith.cmpi eq, %iota3A, %eq3A_295 : vector<128x32xi32>
    %broadcast_in_dim3A_297 = vector.shape_cast %broadcast_in_dim3A_293 : vector<128x1xf32> to vector<128x1xf32>
    %broadcast_in_dim3A_298 = vector.broadcast %broadcast_in_dim3A_297 : vector<128x1xf32> to vector<128x32xf32>
    %select_n3A_299 = arith.select %eq3A_296, %broadcast_in_dim3A_298, %select_n3A_271 : vector<128x32xi1>, vector<128x32xf32>
    %eq3A_300 = arith.constant 5 : i32
    %eq3A_301 = vector.broadcast %eq3A_300 : i32 to vector<128x32xi32>
    %eq3A_302 = arith.cmpi eq, %iota3A, %eq3A_301 : vector<128x32xi32>
    %broadcast_in_dim3A_303 = vector.shape_cast %broadcast_in_dim3A_285 : vector<128x1xf32> to vector<128x1xf32>
    %broadcast_in_dim3A_304 = vector.broadcast %broadcast_in_dim3A_303 : vector<128x1xf32> to vector<128x32xf32>
    %select_n3A_305 = arith.select %eq3A_302, %broadcast_in_dim3A_304, %select_n3A_277 : vector<128x32xi1>, vector<128x32xf32>
    %eq3A_306 = vector.broadcast %broadcast_in_dim3A_293 : vector<128x1xf32> to vector<128x640xf32>
    %eq3A_307 = arith.cmpf oeq, %concatenate3A_142, %eq3A_306 : vector<128x640xf32>
    %jit3A_308 = arith.constant 1.000000e+30 : f32
    %broadcast_in_dim3A_309 = vector.broadcast %jit3A_308 : f32 to vector<128x640xf32>
    %select_n3A_310 = arith.select %eq3A_307, %broadcast_in_dim3A_309, %select_n3A_282 : vector<128x640xi1>, vector<128x640xf32>
    %reduce_min3A_311 = arith.constant dense<0x7F800000> : vector<128xf32>
    %reduce_min3A_312 = vector.multi_reduction <minimumf>, %select_n3A_310, %reduce_min3A_311 [1] : vector<128x640xf32> to vector<128xf32>
    %broadcast_in_dim3A_313 = vector.shape_cast %reduce_min3A_312 : vector<128xf32> to vector<128x1xf32>
    %eq3A_314 = vector.broadcast %broadcast_in_dim3A_313 : vector<128x1xf32> to vector<128x640xf32>
    %eq3A_315 = arith.cmpf oeq, %select_n3A_310, %eq3A_314 : vector<128x640xf32>
    %jit3A_316 = arith.constant 1.000000e+09 : f32
    %broadcast_in_dim3A_317 = vector.broadcast %jit3A_316 : f32 to vector<128x640xf32>
    %select_n3A_318 = arith.select %eq3A_315, %concatenate3A_142, %broadcast_in_dim3A_317 : vector<128x640xi1>, vector<128x640xf32>
    %reduce_min3A_319 = arith.constant dense<0x7F800000> : vector<128xf32>
    %reduce_min3A_320 = vector.multi_reduction <minimumf>, %select_n3A_318, %reduce_min3A_319 [1] : vector<128x640xf32> to vector<128xf32>
    %broadcast_in_dim3A_321 = vector.shape_cast %reduce_min3A_320 : vector<128xf32> to vector<128x1xf32>
    %eq3A_322 = arith.constant 6 : i32
    %eq3A_323 = vector.broadcast %eq3A_322 : i32 to vector<128x32xi32>
    %eq3A_324 = arith.cmpi eq, %iota3A, %eq3A_323 : vector<128x32xi32>
    %broadcast_in_dim3A_325 = vector.shape_cast %broadcast_in_dim3A_321 : vector<128x1xf32> to vector<128x1xf32>
    %broadcast_in_dim3A_326 = vector.broadcast %broadcast_in_dim3A_325 : vector<128x1xf32> to vector<128x32xf32>
    %select_n3A_327 = arith.select %eq3A_324, %broadcast_in_dim3A_326, %select_n3A_299 : vector<128x32xi1>, vector<128x32xf32>
    %eq3A_328 = arith.constant 6 : i32
    %eq3A_329 = vector.broadcast %eq3A_328 : i32 to vector<128x32xi32>
    %eq3A_330 = arith.cmpi eq, %iota3A, %eq3A_329 : vector<128x32xi32>
    %broadcast_in_dim3A_331 = vector.shape_cast %broadcast_in_dim3A_313 : vector<128x1xf32> to vector<128x1xf32>
    %broadcast_in_dim3A_332 = vector.broadcast %broadcast_in_dim3A_331 : vector<128x1xf32> to vector<128x32xf32>
    %select_n3A_333 = arith.select %eq3A_330, %broadcast_in_dim3A_332, %select_n3A_305 : vector<128x32xi1>, vector<128x32xf32>
    %eq3A_334 = vector.broadcast %broadcast_in_dim3A_321 : vector<128x1xf32> to vector<128x640xf32>
    %eq3A_335 = arith.cmpf oeq, %concatenate3A_142, %eq3A_334 : vector<128x640xf32>
    %jit3A_336 = arith.constant 1.000000e+30 : f32
    %broadcast_in_dim3A_337 = vector.broadcast %jit3A_336 : f32 to vector<128x640xf32>
    %select_n3A_338 = arith.select %eq3A_335, %broadcast_in_dim3A_337, %select_n3A_310 : vector<128x640xi1>, vector<128x640xf32>
    %reduce_min3A_339 = arith.constant dense<0x7F800000> : vector<128xf32>
    %reduce_min3A_340 = vector.multi_reduction <minimumf>, %select_n3A_338, %reduce_min3A_339 [1] : vector<128x640xf32> to vector<128xf32>
    %broadcast_in_dim3A_341 = vector.shape_cast %reduce_min3A_340 : vector<128xf32> to vector<128x1xf32>
    %eq3A_342 = vector.broadcast %broadcast_in_dim3A_341 : vector<128x1xf32> to vector<128x640xf32>
    %eq3A_343 = arith.cmpf oeq, %select_n3A_338, %eq3A_342 : vector<128x640xf32>
    %jit3A_344 = arith.constant 1.000000e+09 : f32
    %broadcast_in_dim3A_345 = vector.broadcast %jit3A_344 : f32 to vector<128x640xf32>
    %select_n3A_346 = arith.select %eq3A_343, %concatenate3A_142, %broadcast_in_dim3A_345 : vector<128x640xi1>, vector<128x640xf32>
    %reduce_min3A_347 = arith.constant dense<0x7F800000> : vector<128xf32>
    %reduce_min3A_348 = vector.multi_reduction <minimumf>, %select_n3A_346, %reduce_min3A_347 [1] : vector<128x640xf32> to vector<128xf32>
    %broadcast_in_dim3A_349 = vector.shape_cast %reduce_min3A_348 : vector<128xf32> to vector<128x1xf32>
    %eq3A_350 = arith.constant 7 : i32
    %eq3A_351 = vector.broadcast %eq3A_350 : i32 to vector<128x32xi32>
    %eq3A_352 = arith.cmpi eq, %iota3A, %eq3A_351 : vector<128x32xi32>
    %broadcast_in_dim3A_353 = vector.shape_cast %broadcast_in_dim3A_349 : vector<128x1xf32> to vector<128x1xf32>
    %broadcast_in_dim3A_354 = vector.broadcast %broadcast_in_dim3A_353 : vector<128x1xf32> to vector<128x32xf32>
    %select_n3A_355 = arith.select %eq3A_352, %broadcast_in_dim3A_354, %select_n3A_327 : vector<128x32xi1>, vector<128x32xf32>
    %eq3A_356 = arith.constant 7 : i32
    %eq3A_357 = vector.broadcast %eq3A_356 : i32 to vector<128x32xi32>
    %eq3A_358 = arith.cmpi eq, %iota3A, %eq3A_357 : vector<128x32xi32>
    %broadcast_in_dim3A_359 = vector.shape_cast %broadcast_in_dim3A_341 : vector<128x1xf32> to vector<128x1xf32>
    %broadcast_in_dim3A_360 = vector.broadcast %broadcast_in_dim3A_359 : vector<128x1xf32> to vector<128x32xf32>
    %select_n3A_361 = arith.select %eq3A_358, %broadcast_in_dim3A_360, %select_n3A_333 : vector<128x32xi1>, vector<128x32xf32>
    %eq3A_362 = vector.broadcast %broadcast_in_dim3A_349 : vector<128x1xf32> to vector<128x640xf32>
    %eq3A_363 = arith.cmpf oeq, %concatenate3A_142, %eq3A_362 : vector<128x640xf32>
    %jit3A_364 = arith.constant 1.000000e+30 : f32
    %broadcast_in_dim3A_365 = vector.broadcast %jit3A_364 : f32 to vector<128x640xf32>
    %select_n3A_366 = arith.select %eq3A_363, %broadcast_in_dim3A_365, %select_n3A_338 : vector<128x640xi1>, vector<128x640xf32>
    %reduce_min3A_367 = arith.constant dense<0x7F800000> : vector<128xf32>
    %reduce_min3A_368 = vector.multi_reduction <minimumf>, %select_n3A_366, %reduce_min3A_367 [1] : vector<128x640xf32> to vector<128xf32>
    %broadcast_in_dim3A_369 = vector.shape_cast %reduce_min3A_368 : vector<128xf32> to vector<128x1xf32>
    %eq3A_370 = vector.broadcast %broadcast_in_dim3A_369 : vector<128x1xf32> to vector<128x640xf32>
    %eq3A_371 = arith.cmpf oeq, %select_n3A_366, %eq3A_370 : vector<128x640xf32>
    %jit3A_372 = arith.constant 1.000000e+09 : f32
    %broadcast_in_dim3A_373 = vector.broadcast %jit3A_372 : f32 to vector<128x640xf32>
    %select_n3A_374 = arith.select %eq3A_371, %concatenate3A_142, %broadcast_in_dim3A_373 : vector<128x640xi1>, vector<128x640xf32>
    %reduce_min3A_375 = arith.constant dense<0x7F800000> : vector<128xf32>
    %reduce_min3A_376 = vector.multi_reduction <minimumf>, %select_n3A_374, %reduce_min3A_375 [1] : vector<128x640xf32> to vector<128xf32>
    %broadcast_in_dim3A_377 = vector.shape_cast %reduce_min3A_376 : vector<128xf32> to vector<128x1xf32>
    %eq3A_378 = arith.constant 8 : i32
    %eq3A_379 = vector.broadcast %eq3A_378 : i32 to vector<128x32xi32>
    %eq3A_380 = arith.cmpi eq, %iota3A, %eq3A_379 : vector<128x32xi32>
    %broadcast_in_dim3A_381 = vector.shape_cast %broadcast_in_dim3A_377 : vector<128x1xf32> to vector<128x1xf32>
    %broadcast_in_dim3A_382 = vector.broadcast %broadcast_in_dim3A_381 : vector<128x1xf32> to vector<128x32xf32>
    %select_n3A_383 = arith.select %eq3A_380, %broadcast_in_dim3A_382, %select_n3A_355 : vector<128x32xi1>, vector<128x32xf32>
    %eq3A_384 = arith.constant 8 : i32
    %eq3A_385 = vector.broadcast %eq3A_384 : i32 to vector<128x32xi32>
    %eq3A_386 = arith.cmpi eq, %iota3A, %eq3A_385 : vector<128x32xi32>
    %broadcast_in_dim3A_387 = vector.shape_cast %broadcast_in_dim3A_369 : vector<128x1xf32> to vector<128x1xf32>
    %broadcast_in_dim3A_388 = vector.broadcast %broadcast_in_dim3A_387 : vector<128x1xf32> to vector<128x32xf32>
    %select_n3A_389 = arith.select %eq3A_386, %broadcast_in_dim3A_388, %select_n3A_361 : vector<128x32xi1>, vector<128x32xf32>
    %eq3A_390 = vector.broadcast %broadcast_in_dim3A_377 : vector<128x1xf32> to vector<128x640xf32>
    %eq3A_391 = arith.cmpf oeq, %concatenate3A_142, %eq3A_390 : vector<128x640xf32>
    %jit3A_392 = arith.constant 1.000000e+30 : f32
    %broadcast_in_dim3A_393 = vector.broadcast %jit3A_392 : f32 to vector<128x640xf32>
    %select_n3A_394 = arith.select %eq3A_391, %broadcast_in_dim3A_393, %select_n3A_366 : vector<128x640xi1>, vector<128x640xf32>
    %reduce_min3A_395 = arith.constant dense<0x7F800000> : vector<128xf32>
    %reduce_min3A_396 = vector.multi_reduction <minimumf>, %select_n3A_394, %reduce_min3A_395 [1] : vector<128x640xf32> to vector<128xf32>
    %broadcast_in_dim3A_397 = vector.shape_cast %reduce_min3A_396 : vector<128xf32> to vector<128x1xf32>
    %eq3A_398 = vector.broadcast %broadcast_in_dim3A_397 : vector<128x1xf32> to vector<128x640xf32>
    %eq3A_399 = arith.cmpf oeq, %select_n3A_394, %eq3A_398 : vector<128x640xf32>
    %jit3A_400 = arith.constant 1.000000e+09 : f32
    %broadcast_in_dim3A_401 = vector.broadcast %jit3A_400 : f32 to vector<128x640xf32>
    %select_n3A_402 = arith.select %eq3A_399, %concatenate3A_142, %broadcast_in_dim3A_401 : vector<128x640xi1>, vector<128x640xf32>
    %reduce_min3A_403 = arith.constant dense<0x7F800000> : vector<128xf32>
    %reduce_min3A_404 = vector.multi_reduction <minimumf>, %select_n3A_402, %reduce_min3A_403 [1] : vector<128x640xf32> to vector<128xf32>
    %broadcast_in_dim3A_405 = vector.shape_cast %reduce_min3A_404 : vector<128xf32> to vector<128x1xf32>
    %eq3A_406 = arith.constant 9 : i32
    %eq3A_407 = vector.broadcast %eq3A_406 : i32 to vector<128x32xi32>
    %eq3A_408 = arith.cmpi eq, %iota3A, %eq3A_407 : vector<128x32xi32>
    %broadcast_in_dim3A_409 = vector.shape_cast %broadcast_in_dim3A_405 : vector<128x1xf32> to vector<128x1xf32>
    %broadcast_in_dim3A_410 = vector.broadcast %broadcast_in_dim3A_409 : vector<128x1xf32> to vector<128x32xf32>
    %select_n3A_411 = arith.select %eq3A_408, %broadcast_in_dim3A_410, %select_n3A_383 : vector<128x32xi1>, vector<128x32xf32>
    %eq3A_412 = arith.constant 9 : i32
    %eq3A_413 = vector.broadcast %eq3A_412 : i32 to vector<128x32xi32>
    %eq3A_414 = arith.cmpi eq, %iota3A, %eq3A_413 : vector<128x32xi32>
    %broadcast_in_dim3A_415 = vector.shape_cast %broadcast_in_dim3A_397 : vector<128x1xf32> to vector<128x1xf32>
    %broadcast_in_dim3A_416 = vector.broadcast %broadcast_in_dim3A_415 : vector<128x1xf32> to vector<128x32xf32>
    %select_n3A_417 = arith.select %eq3A_414, %broadcast_in_dim3A_416, %select_n3A_389 : vector<128x32xi1>, vector<128x32xf32>
    %eq3A_418 = vector.broadcast %broadcast_in_dim3A_405 : vector<128x1xf32> to vector<128x640xf32>
    %eq3A_419 = arith.cmpf oeq, %concatenate3A_142, %eq3A_418 : vector<128x640xf32>
    %jit3A_420 = arith.constant 1.000000e+30 : f32
    %broadcast_in_dim3A_421 = vector.broadcast %jit3A_420 : f32 to vector<128x640xf32>
    %select_n3A_422 = arith.select %eq3A_419, %broadcast_in_dim3A_421, %select_n3A_394 : vector<128x640xi1>, vector<128x640xf32>
    %reduce_min3A_423 = arith.constant dense<0x7F800000> : vector<128xf32>
    %reduce_min3A_424 = vector.multi_reduction <minimumf>, %select_n3A_422, %reduce_min3A_423 [1] : vector<128x640xf32> to vector<128xf32>
    %broadcast_in_dim3A_425 = vector.shape_cast %reduce_min3A_424 : vector<128xf32> to vector<128x1xf32>
    %eq3A_426 = vector.broadcast %broadcast_in_dim3A_425 : vector<128x1xf32> to vector<128x640xf32>
    %eq3A_427 = arith.cmpf oeq, %select_n3A_422, %eq3A_426 : vector<128x640xf32>
    %jit3A_428 = arith.constant 1.000000e+09 : f32
    %broadcast_in_dim3A_429 = vector.broadcast %jit3A_428 : f32 to vector<128x640xf32>
    %select_n3A_430 = arith.select %eq3A_427, %concatenate3A_142, %broadcast_in_dim3A_429 : vector<128x640xi1>, vector<128x640xf32>
    %reduce_min3A_431 = arith.constant dense<0x7F800000> : vector<128xf32>
    %reduce_min3A_432 = vector.multi_reduction <minimumf>, %select_n3A_430, %reduce_min3A_431 [1] : vector<128x640xf32> to vector<128xf32>
    %broadcast_in_dim3A_433 = vector.shape_cast %reduce_min3A_432 : vector<128xf32> to vector<128x1xf32>
    %eq3A_434 = arith.constant 10 : i32
    %eq3A_435 = vector.broadcast %eq3A_434 : i32 to vector<128x32xi32>
    %eq3A_436 = arith.cmpi eq, %iota3A, %eq3A_435 : vector<128x32xi32>
    %broadcast_in_dim3A_437 = vector.shape_cast %broadcast_in_dim3A_433 : vector<128x1xf32> to vector<128x1xf32>
    %broadcast_in_dim3A_438 = vector.broadcast %broadcast_in_dim3A_437 : vector<128x1xf32> to vector<128x32xf32>
    %select_n3A_439 = arith.select %eq3A_436, %broadcast_in_dim3A_438, %select_n3A_411 : vector<128x32xi1>, vector<128x32xf32>
    %eq3A_440 = arith.constant 10 : i32
    %eq3A_441 = vector.broadcast %eq3A_440 : i32 to vector<128x32xi32>
    %eq3A_442 = arith.cmpi eq, %iota3A, %eq3A_441 : vector<128x32xi32>
    %broadcast_in_dim3A_443 = vector.shape_cast %broadcast_in_dim3A_425 : vector<128x1xf32> to vector<128x1xf32>
    %broadcast_in_dim3A_444 = vector.broadcast %broadcast_in_dim3A_443 : vector<128x1xf32> to vector<128x32xf32>
    %select_n3A_445 = arith.select %eq3A_442, %broadcast_in_dim3A_444, %select_n3A_417 : vector<128x32xi1>, vector<128x32xf32>
    %eq3A_446 = vector.broadcast %broadcast_in_dim3A_433 : vector<128x1xf32> to vector<128x640xf32>
    %eq3A_447 = arith.cmpf oeq, %concatenate3A_142, %eq3A_446 : vector<128x640xf32>
    %jit3A_448 = arith.constant 1.000000e+30 : f32
    %broadcast_in_dim3A_449 = vector.broadcast %jit3A_448 : f32 to vector<128x640xf32>
    %select_n3A_450 = arith.select %eq3A_447, %broadcast_in_dim3A_449, %select_n3A_422 : vector<128x640xi1>, vector<128x640xf32>
    %reduce_min3A_451 = arith.constant dense<0x7F800000> : vector<128xf32>
    %reduce_min3A_452 = vector.multi_reduction <minimumf>, %select_n3A_450, %reduce_min3A_451 [1] : vector<128x640xf32> to vector<128xf32>
    %broadcast_in_dim3A_453 = vector.shape_cast %reduce_min3A_452 : vector<128xf32> to vector<128x1xf32>
    %eq3A_454 = vector.broadcast %broadcast_in_dim3A_453 : vector<128x1xf32> to vector<128x640xf32>
    %eq3A_455 = arith.cmpf oeq, %select_n3A_450, %eq3A_454 : vector<128x640xf32>
    %jit3A_456 = arith.constant 1.000000e+09 : f32
    %broadcast_in_dim3A_457 = vector.broadcast %jit3A_456 : f32 to vector<128x640xf32>
    %select_n3A_458 = arith.select %eq3A_455, %concatenate3A_142, %broadcast_in_dim3A_457 : vector<128x640xi1>, vector<128x640xf32>
    %reduce_min3A_459 = arith.constant dense<0x7F800000> : vector<128xf32>
    %reduce_min3A_460 = vector.multi_reduction <minimumf>, %select_n3A_458, %reduce_min3A_459 [1] : vector<128x640xf32> to vector<128xf32>
    %broadcast_in_dim3A_461 = vector.shape_cast %reduce_min3A_460 : vector<128xf32> to vector<128x1xf32>
    %eq3A_462 = arith.constant 11 : i32
    %eq3A_463 = vector.broadcast %eq3A_462 : i32 to vector<128x32xi32>
    %eq3A_464 = arith.cmpi eq, %iota3A, %eq3A_463 : vector<128x32xi32>
    %broadcast_in_dim3A_465 = vector.shape_cast %broadcast_in_dim3A_461 : vector<128x1xf32> to vector<128x1xf32>
    %broadcast_in_dim3A_466 = vector.broadcast %broadcast_in_dim3A_465 : vector<128x1xf32> to vector<128x32xf32>
    %select_n3A_467 = arith.select %eq3A_464, %broadcast_in_dim3A_466, %select_n3A_439 : vector<128x32xi1>, vector<128x32xf32>
    %eq3A_468 = arith.constant 11 : i32
    %eq3A_469 = vector.broadcast %eq3A_468 : i32 to vector<128x32xi32>
    %eq3A_470 = arith.cmpi eq, %iota3A, %eq3A_469 : vector<128x32xi32>
    %broadcast_in_dim3A_471 = vector.shape_cast %broadcast_in_dim3A_453 : vector<128x1xf32> to vector<128x1xf32>
    %broadcast_in_dim3A_472 = vector.broadcast %broadcast_in_dim3A_471 : vector<128x1xf32> to vector<128x32xf32>
    %select_n3A_473 = arith.select %eq3A_470, %broadcast_in_dim3A_472, %select_n3A_445 : vector<128x32xi1>, vector<128x32xf32>
    %eq3A_474 = vector.broadcast %broadcast_in_dim3A_461 : vector<128x1xf32> to vector<128x640xf32>
    %eq3A_475 = arith.cmpf oeq, %concatenate3A_142, %eq3A_474 : vector<128x640xf32>
    %jit3A_476 = arith.constant 1.000000e+30 : f32
    %broadcast_in_dim3A_477 = vector.broadcast %jit3A_476 : f32 to vector<128x640xf32>
    %select_n3A_478 = arith.select %eq3A_475, %broadcast_in_dim3A_477, %select_n3A_450 : vector<128x640xi1>, vector<128x640xf32>
    %reduce_min3A_479 = arith.constant dense<0x7F800000> : vector<128xf32>
    %reduce_min3A_480 = vector.multi_reduction <minimumf>, %select_n3A_478, %reduce_min3A_479 [1] : vector<128x640xf32> to vector<128xf32>
    %broadcast_in_dim3A_481 = vector.shape_cast %reduce_min3A_480 : vector<128xf32> to vector<128x1xf32>
    %eq3A_482 = vector.broadcast %broadcast_in_dim3A_481 : vector<128x1xf32> to vector<128x640xf32>
    %eq3A_483 = arith.cmpf oeq, %select_n3A_478, %eq3A_482 : vector<128x640xf32>
    %jit3A_484 = arith.constant 1.000000e+09 : f32
    %broadcast_in_dim3A_485 = vector.broadcast %jit3A_484 : f32 to vector<128x640xf32>
    %select_n3A_486 = arith.select %eq3A_483, %concatenate3A_142, %broadcast_in_dim3A_485 : vector<128x640xi1>, vector<128x640xf32>
    %reduce_min3A_487 = arith.constant dense<0x7F800000> : vector<128xf32>
    %reduce_min3A_488 = vector.multi_reduction <minimumf>, %select_n3A_486, %reduce_min3A_487 [1] : vector<128x640xf32> to vector<128xf32>
    %broadcast_in_dim3A_489 = vector.shape_cast %reduce_min3A_488 : vector<128xf32> to vector<128x1xf32>
    %eq3A_490 = arith.constant 12 : i32
    %eq3A_491 = vector.broadcast %eq3A_490 : i32 to vector<128x32xi32>
    %eq3A_492 = arith.cmpi eq, %iota3A, %eq3A_491 : vector<128x32xi32>
    %broadcast_in_dim3A_493 = vector.shape_cast %broadcast_in_dim3A_489 : vector<128x1xf32> to vector<128x1xf32>
    %broadcast_in_dim3A_494 = vector.broadcast %broadcast_in_dim3A_493 : vector<128x1xf32> to vector<128x32xf32>
    %select_n3A_495 = arith.select %eq3A_492, %broadcast_in_dim3A_494, %select_n3A_467 : vector<128x32xi1>, vector<128x32xf32>
    %eq3A_496 = arith.constant 12 : i32
    %eq3A_497 = vector.broadcast %eq3A_496 : i32 to vector<128x32xi32>
    %eq3A_498 = arith.cmpi eq, %iota3A, %eq3A_497 : vector<128x32xi32>
    %broadcast_in_dim3A_499 = vector.shape_cast %broadcast_in_dim3A_481 : vector<128x1xf32> to vector<128x1xf32>
    %broadcast_in_dim3A_500 = vector.broadcast %broadcast_in_dim3A_499 : vector<128x1xf32> to vector<128x32xf32>
    %select_n3A_501 = arith.select %eq3A_498, %broadcast_in_dim3A_500, %select_n3A_473 : vector<128x32xi1>, vector<128x32xf32>
    %eq3A_502 = vector.broadcast %broadcast_in_dim3A_489 : vector<128x1xf32> to vector<128x640xf32>
    %eq3A_503 = arith.cmpf oeq, %concatenate3A_142, %eq3A_502 : vector<128x640xf32>
    %jit3A_504 = arith.constant 1.000000e+30 : f32
    %broadcast_in_dim3A_505 = vector.broadcast %jit3A_504 : f32 to vector<128x640xf32>
    %select_n3A_506 = arith.select %eq3A_503, %broadcast_in_dim3A_505, %select_n3A_478 : vector<128x640xi1>, vector<128x640xf32>
    %reduce_min3A_507 = arith.constant dense<0x7F800000> : vector<128xf32>
    %reduce_min3A_508 = vector.multi_reduction <minimumf>, %select_n3A_506, %reduce_min3A_507 [1] : vector<128x640xf32> to vector<128xf32>
    %broadcast_in_dim3A_509 = vector.shape_cast %reduce_min3A_508 : vector<128xf32> to vector<128x1xf32>
    %eq3A_510 = vector.broadcast %broadcast_in_dim3A_509 : vector<128x1xf32> to vector<128x640xf32>
    %eq3A_511 = arith.cmpf oeq, %select_n3A_506, %eq3A_510 : vector<128x640xf32>
    %jit3A_512 = arith.constant 1.000000e+09 : f32
    %broadcast_in_dim3A_513 = vector.broadcast %jit3A_512 : f32 to vector<128x640xf32>
    %select_n3A_514 = arith.select %eq3A_511, %concatenate3A_142, %broadcast_in_dim3A_513 : vector<128x640xi1>, vector<128x640xf32>
    %reduce_min3A_515 = arith.constant dense<0x7F800000> : vector<128xf32>
    %reduce_min3A_516 = vector.multi_reduction <minimumf>, %select_n3A_514, %reduce_min3A_515 [1] : vector<128x640xf32> to vector<128xf32>
    %broadcast_in_dim3A_517 = vector.shape_cast %reduce_min3A_516 : vector<128xf32> to vector<128x1xf32>
    %eq3A_518 = arith.constant 13 : i32
    %eq3A_519 = vector.broadcast %eq3A_518 : i32 to vector<128x32xi32>
    %eq3A_520 = arith.cmpi eq, %iota3A, %eq3A_519 : vector<128x32xi32>
    %broadcast_in_dim3A_521 = vector.shape_cast %broadcast_in_dim3A_517 : vector<128x1xf32> to vector<128x1xf32>
    %broadcast_in_dim3A_522 = vector.broadcast %broadcast_in_dim3A_521 : vector<128x1xf32> to vector<128x32xf32>
    %select_n3A_523 = arith.select %eq3A_520, %broadcast_in_dim3A_522, %select_n3A_495 : vector<128x32xi1>, vector<128x32xf32>
    %eq3A_524 = arith.constant 13 : i32
    %eq3A_525 = vector.broadcast %eq3A_524 : i32 to vector<128x32xi32>
    %eq3A_526 = arith.cmpi eq, %iota3A, %eq3A_525 : vector<128x32xi32>
    %broadcast_in_dim3A_527 = vector.shape_cast %broadcast_in_dim3A_509 : vector<128x1xf32> to vector<128x1xf32>
    %broadcast_in_dim3A_528 = vector.broadcast %broadcast_in_dim3A_527 : vector<128x1xf32> to vector<128x32xf32>
    %select_n3A_529 = arith.select %eq3A_526, %broadcast_in_dim3A_528, %select_n3A_501 : vector<128x32xi1>, vector<128x32xf32>
    %eq3A_530 = vector.broadcast %broadcast_in_dim3A_517 : vector<128x1xf32> to vector<128x640xf32>
    %eq3A_531 = arith.cmpf oeq, %concatenate3A_142, %eq3A_530 : vector<128x640xf32>
    %jit3A_532 = arith.constant 1.000000e+30 : f32
    %broadcast_in_dim3A_533 = vector.broadcast %jit3A_532 : f32 to vector<128x640xf32>
    %select_n3A_534 = arith.select %eq3A_531, %broadcast_in_dim3A_533, %select_n3A_506 : vector<128x640xi1>, vector<128x640xf32>
    %reduce_min3A_535 = arith.constant dense<0x7F800000> : vector<128xf32>
    %reduce_min3A_536 = vector.multi_reduction <minimumf>, %select_n3A_534, %reduce_min3A_535 [1] : vector<128x640xf32> to vector<128xf32>
    %broadcast_in_dim3A_537 = vector.shape_cast %reduce_min3A_536 : vector<128xf32> to vector<128x1xf32>
    %eq3A_538 = vector.broadcast %broadcast_in_dim3A_537 : vector<128x1xf32> to vector<128x640xf32>
    %eq3A_539 = arith.cmpf oeq, %select_n3A_534, %eq3A_538 : vector<128x640xf32>
    %jit3A_540 = arith.constant 1.000000e+09 : f32
    %broadcast_in_dim3A_541 = vector.broadcast %jit3A_540 : f32 to vector<128x640xf32>
    %select_n3A_542 = arith.select %eq3A_539, %concatenate3A_142, %broadcast_in_dim3A_541 : vector<128x640xi1>, vector<128x640xf32>
    %reduce_min3A_543 = arith.constant dense<0x7F800000> : vector<128xf32>
    %reduce_min3A_544 = vector.multi_reduction <minimumf>, %select_n3A_542, %reduce_min3A_543 [1] : vector<128x640xf32> to vector<128xf32>
    %broadcast_in_dim3A_545 = vector.shape_cast %reduce_min3A_544 : vector<128xf32> to vector<128x1xf32>
    %eq3A_546 = arith.constant 14 : i32
    %eq3A_547 = vector.broadcast %eq3A_546 : i32 to vector<128x32xi32>
    %eq3A_548 = arith.cmpi eq, %iota3A, %eq3A_547 : vector<128x32xi32>
    %broadcast_in_dim3A_549 = vector.shape_cast %broadcast_in_dim3A_545 : vector<128x1xf32> to vector<128x1xf32>
    %broadcast_in_dim3A_550 = vector.broadcast %broadcast_in_dim3A_549 : vector<128x1xf32> to vector<128x32xf32>
    %select_n3A_551 = arith.select %eq3A_548, %broadcast_in_dim3A_550, %select_n3A_523 : vector<128x32xi1>, vector<128x32xf32>
    %eq3A_552 = arith.constant 14 : i32
    %eq3A_553 = vector.broadcast %eq3A_552 : i32 to vector<128x32xi32>
    %eq3A_554 = arith.cmpi eq, %iota3A, %eq3A_553 : vector<128x32xi32>
    %broadcast_in_dim3A_555 = vector.shape_cast %broadcast_in_dim3A_537 : vector<128x1xf32> to vector<128x1xf32>
    %broadcast_in_dim3A_556 = vector.broadcast %broadcast_in_dim3A_555 : vector<128x1xf32> to vector<128x32xf32>
    %select_n3A_557 = arith.select %eq3A_554, %broadcast_in_dim3A_556, %select_n3A_529 : vector<128x32xi1>, vector<128x32xf32>
    %eq3A_558 = vector.broadcast %broadcast_in_dim3A_545 : vector<128x1xf32> to vector<128x640xf32>
    %eq3A_559 = arith.cmpf oeq, %concatenate3A_142, %eq3A_558 : vector<128x640xf32>
    %jit3A_560 = arith.constant 1.000000e+30 : f32
    %broadcast_in_dim3A_561 = vector.broadcast %jit3A_560 : f32 to vector<128x640xf32>
    %select_n3A_562 = arith.select %eq3A_559, %broadcast_in_dim3A_561, %select_n3A_534 : vector<128x640xi1>, vector<128x640xf32>
    %reduce_min3A_563 = arith.constant dense<0x7F800000> : vector<128xf32>
    %reduce_min3A_564 = vector.multi_reduction <minimumf>, %select_n3A_562, %reduce_min3A_563 [1] : vector<128x640xf32> to vector<128xf32>
    %broadcast_in_dim3A_565 = vector.shape_cast %reduce_min3A_564 : vector<128xf32> to vector<128x1xf32>
    %eq3A_566 = vector.broadcast %broadcast_in_dim3A_565 : vector<128x1xf32> to vector<128x640xf32>
    %eq3A_567 = arith.cmpf oeq, %select_n3A_562, %eq3A_566 : vector<128x640xf32>
    %jit3A_568 = arith.constant 1.000000e+09 : f32
    %broadcast_in_dim3A_569 = vector.broadcast %jit3A_568 : f32 to vector<128x640xf32>
    %select_n3A_570 = arith.select %eq3A_567, %concatenate3A_142, %broadcast_in_dim3A_569 : vector<128x640xi1>, vector<128x640xf32>
    %reduce_min3A_571 = arith.constant dense<0x7F800000> : vector<128xf32>
    %reduce_min3A_572 = vector.multi_reduction <minimumf>, %select_n3A_570, %reduce_min3A_571 [1] : vector<128x640xf32> to vector<128xf32>
    %broadcast_in_dim3A_573 = vector.shape_cast %reduce_min3A_572 : vector<128xf32> to vector<128x1xf32>
    %eq3A_574 = arith.constant 15 : i32
    %eq3A_575 = vector.broadcast %eq3A_574 : i32 to vector<128x32xi32>
    %eq3A_576 = arith.cmpi eq, %iota3A, %eq3A_575 : vector<128x32xi32>
    %broadcast_in_dim3A_577 = vector.shape_cast %broadcast_in_dim3A_573 : vector<128x1xf32> to vector<128x1xf32>
    %broadcast_in_dim3A_578 = vector.broadcast %broadcast_in_dim3A_577 : vector<128x1xf32> to vector<128x32xf32>
    %select_n3A_579 = arith.select %eq3A_576, %broadcast_in_dim3A_578, %select_n3A_551 : vector<128x32xi1>, vector<128x32xf32>
    %eq3A_580 = arith.constant 15 : i32
    %eq3A_581 = vector.broadcast %eq3A_580 : i32 to vector<128x32xi32>
    %eq3A_582 = arith.cmpi eq, %iota3A, %eq3A_581 : vector<128x32xi32>
    %broadcast_in_dim3A_583 = vector.shape_cast %broadcast_in_dim3A_565 : vector<128x1xf32> to vector<128x1xf32>
    %broadcast_in_dim3A_584 = vector.broadcast %broadcast_in_dim3A_583 : vector<128x1xf32> to vector<128x32xf32>
    %select_n3A_585 = arith.select %eq3A_582, %broadcast_in_dim3A_584, %select_n3A_557 : vector<128x32xi1>, vector<128x32xf32>
    %eq3A_586 = vector.broadcast %broadcast_in_dim3A_573 : vector<128x1xf32> to vector<128x640xf32>
    %eq3A_587 = arith.cmpf oeq, %concatenate3A_142, %eq3A_586 : vector<128x640xf32>
    %jit3A_588 = arith.constant 1.000000e+30 : f32
    %broadcast_in_dim3A_589 = vector.broadcast %jit3A_588 : f32 to vector<128x640xf32>
    %select_n3A_590 = arith.select %eq3A_587, %broadcast_in_dim3A_589, %select_n3A_562 : vector<128x640xi1>, vector<128x640xf32>
    %reduce_min3A_591 = arith.constant dense<0x7F800000> : vector<128xf32>
    %reduce_min3A_592 = vector.multi_reduction <minimumf>, %select_n3A_590, %reduce_min3A_591 [1] : vector<128x640xf32> to vector<128xf32>
    %broadcast_in_dim3A_593 = vector.shape_cast %reduce_min3A_592 : vector<128xf32> to vector<128x1xf32>
    %eq3A_594 = vector.broadcast %broadcast_in_dim3A_593 : vector<128x1xf32> to vector<128x640xf32>
    %eq3A_595 = arith.cmpf oeq, %select_n3A_590, %eq3A_594 : vector<128x640xf32>
    %jit3A_596 = arith.constant 1.000000e+09 : f32
    %broadcast_in_dim3A_597 = vector.broadcast %jit3A_596 : f32 to vector<128x640xf32>
    %select_n3A_598 = arith.select %eq3A_595, %concatenate3A_142, %broadcast_in_dim3A_597 : vector<128x640xi1>, vector<128x640xf32>
    %reduce_min3A_599 = arith.constant dense<0x7F800000> : vector<128xf32>
    %reduce_min3A_600 = vector.multi_reduction <minimumf>, %select_n3A_598, %reduce_min3A_599 [1] : vector<128x640xf32> to vector<128xf32>
    %broadcast_in_dim3A_601 = vector.shape_cast %reduce_min3A_600 : vector<128xf32> to vector<128x1xf32>
    %eq3A_602 = arith.constant 16 : i32
    %eq3A_603 = vector.broadcast %eq3A_602 : i32 to vector<128x32xi32>
    %eq3A_604 = arith.cmpi eq, %iota3A, %eq3A_603 : vector<128x32xi32>
    %broadcast_in_dim3A_605 = vector.shape_cast %broadcast_in_dim3A_601 : vector<128x1xf32> to vector<128x1xf32>
    %broadcast_in_dim3A_606 = vector.broadcast %broadcast_in_dim3A_605 : vector<128x1xf32> to vector<128x32xf32>
    %select_n3A_607 = arith.select %eq3A_604, %broadcast_in_dim3A_606, %select_n3A_579 : vector<128x32xi1>, vector<128x32xf32>
    %eq3A_608 = arith.constant 16 : i32
    %eq3A_609 = vector.broadcast %eq3A_608 : i32 to vector<128x32xi32>
    %eq3A_610 = arith.cmpi eq, %iota3A, %eq3A_609 : vector<128x32xi32>
    %broadcast_in_dim3A_611 = vector.shape_cast %broadcast_in_dim3A_593 : vector<128x1xf32> to vector<128x1xf32>
    %broadcast_in_dim3A_612 = vector.broadcast %broadcast_in_dim3A_611 : vector<128x1xf32> to vector<128x32xf32>
    %select_n3A_613 = arith.select %eq3A_610, %broadcast_in_dim3A_612, %select_n3A_585 : vector<128x32xi1>, vector<128x32xf32>
    %eq3A_614 = vector.broadcast %broadcast_in_dim3A_601 : vector<128x1xf32> to vector<128x640xf32>
    %eq3A_615 = arith.cmpf oeq, %concatenate3A_142, %eq3A_614 : vector<128x640xf32>
    %jit3A_616 = arith.constant 1.000000e+30 : f32
    %broadcast_in_dim3A_617 = vector.broadcast %jit3A_616 : f32 to vector<128x640xf32>
    %select_n3A_618 = arith.select %eq3A_615, %broadcast_in_dim3A_617, %select_n3A_590 : vector<128x640xi1>, vector<128x640xf32>
    %reduce_min3A_619 = arith.constant dense<0x7F800000> : vector<128xf32>
    %reduce_min3A_620 = vector.multi_reduction <minimumf>, %select_n3A_618, %reduce_min3A_619 [1] : vector<128x640xf32> to vector<128xf32>
    %broadcast_in_dim3A_621 = vector.shape_cast %reduce_min3A_620 : vector<128xf32> to vector<128x1xf32>
    %eq3A_622 = vector.broadcast %broadcast_in_dim3A_621 : vector<128x1xf32> to vector<128x640xf32>
    %eq3A_623 = arith.cmpf oeq, %select_n3A_618, %eq3A_622 : vector<128x640xf32>
    %jit3A_624 = arith.constant 1.000000e+09 : f32
    %broadcast_in_dim3A_625 = vector.broadcast %jit3A_624 : f32 to vector<128x640xf32>
    %select_n3A_626 = arith.select %eq3A_623, %concatenate3A_142, %broadcast_in_dim3A_625 : vector<128x640xi1>, vector<128x640xf32>
    %reduce_min3A_627 = arith.constant dense<0x7F800000> : vector<128xf32>
    %reduce_min3A_628 = vector.multi_reduction <minimumf>, %select_n3A_626, %reduce_min3A_627 [1] : vector<128x640xf32> to vector<128xf32>
    %broadcast_in_dim3A_629 = vector.shape_cast %reduce_min3A_628 : vector<128xf32> to vector<128x1xf32>
    %eq3A_630 = arith.constant 17 : i32
    %eq3A_631 = vector.broadcast %eq3A_630 : i32 to vector<128x32xi32>
    %eq3A_632 = arith.cmpi eq, %iota3A, %eq3A_631 : vector<128x32xi32>
    %broadcast_in_dim3A_633 = vector.shape_cast %broadcast_in_dim3A_629 : vector<128x1xf32> to vector<128x1xf32>
    %broadcast_in_dim3A_634 = vector.broadcast %broadcast_in_dim3A_633 : vector<128x1xf32> to vector<128x32xf32>
    %select_n3A_635 = arith.select %eq3A_632, %broadcast_in_dim3A_634, %select_n3A_607 : vector<128x32xi1>, vector<128x32xf32>
    %eq3A_636 = arith.constant 17 : i32
    %eq3A_637 = vector.broadcast %eq3A_636 : i32 to vector<128x32xi32>
    %eq3A_638 = arith.cmpi eq, %iota3A, %eq3A_637 : vector<128x32xi32>
    %broadcast_in_dim3A_639 = vector.shape_cast %broadcast_in_dim3A_621 : vector<128x1xf32> to vector<128x1xf32>
    %broadcast_in_dim3A_640 = vector.broadcast %broadcast_in_dim3A_639 : vector<128x1xf32> to vector<128x32xf32>
    %select_n3A_641 = arith.select %eq3A_638, %broadcast_in_dim3A_640, %select_n3A_613 : vector<128x32xi1>, vector<128x32xf32>
    %eq3A_642 = vector.broadcast %broadcast_in_dim3A_629 : vector<128x1xf32> to vector<128x640xf32>
    %eq3A_643 = arith.cmpf oeq, %concatenate3A_142, %eq3A_642 : vector<128x640xf32>
    %jit3A_644 = arith.constant 1.000000e+30 : f32
    %broadcast_in_dim3A_645 = vector.broadcast %jit3A_644 : f32 to vector<128x640xf32>
    %select_n3A_646 = arith.select %eq3A_643, %broadcast_in_dim3A_645, %select_n3A_618 : vector<128x640xi1>, vector<128x640xf32>
    %reduce_min3A_647 = arith.constant dense<0x7F800000> : vector<128xf32>
    %reduce_min3A_648 = vector.multi_reduction <minimumf>, %select_n3A_646, %reduce_min3A_647 [1] : vector<128x640xf32> to vector<128xf32>
    %broadcast_in_dim3A_649 = vector.shape_cast %reduce_min3A_648 : vector<128xf32> to vector<128x1xf32>
    %eq3A_650 = vector.broadcast %broadcast_in_dim3A_649 : vector<128x1xf32> to vector<128x640xf32>
    %eq3A_651 = arith.cmpf oeq, %select_n3A_646, %eq3A_650 : vector<128x640xf32>
    %jit3A_652 = arith.constant 1.000000e+09 : f32
    %broadcast_in_dim3A_653 = vector.broadcast %jit3A_652 : f32 to vector<128x640xf32>
    %select_n3A_654 = arith.select %eq3A_651, %concatenate3A_142, %broadcast_in_dim3A_653 : vector<128x640xi1>, vector<128x640xf32>
    %reduce_min3A_655 = arith.constant dense<0x7F800000> : vector<128xf32>
    %reduce_min3A_656 = vector.multi_reduction <minimumf>, %select_n3A_654, %reduce_min3A_655 [1] : vector<128x640xf32> to vector<128xf32>
    %broadcast_in_dim3A_657 = vector.shape_cast %reduce_min3A_656 : vector<128xf32> to vector<128x1xf32>
    %eq3A_658 = arith.constant 18 : i32
    %eq3A_659 = vector.broadcast %eq3A_658 : i32 to vector<128x32xi32>
    %eq3A_660 = arith.cmpi eq, %iota3A, %eq3A_659 : vector<128x32xi32>
    %broadcast_in_dim3A_661 = vector.shape_cast %broadcast_in_dim3A_657 : vector<128x1xf32> to vector<128x1xf32>
    %broadcast_in_dim3A_662 = vector.broadcast %broadcast_in_dim3A_661 : vector<128x1xf32> to vector<128x32xf32>
    %select_n3A_663 = arith.select %eq3A_660, %broadcast_in_dim3A_662, %select_n3A_635 : vector<128x32xi1>, vector<128x32xf32>
    %eq3A_664 = arith.constant 18 : i32
    %eq3A_665 = vector.broadcast %eq3A_664 : i32 to vector<128x32xi32>
    %eq3A_666 = arith.cmpi eq, %iota3A, %eq3A_665 : vector<128x32xi32>
    %broadcast_in_dim3A_667 = vector.shape_cast %broadcast_in_dim3A_649 : vector<128x1xf32> to vector<128x1xf32>
    %broadcast_in_dim3A_668 = vector.broadcast %broadcast_in_dim3A_667 : vector<128x1xf32> to vector<128x32xf32>
    %select_n3A_669 = arith.select %eq3A_666, %broadcast_in_dim3A_668, %select_n3A_641 : vector<128x32xi1>, vector<128x32xf32>
    %eq3A_670 = vector.broadcast %broadcast_in_dim3A_657 : vector<128x1xf32> to vector<128x640xf32>
    %eq3A_671 = arith.cmpf oeq, %concatenate3A_142, %eq3A_670 : vector<128x640xf32>
    %jit3A_672 = arith.constant 1.000000e+30 : f32
    %broadcast_in_dim3A_673 = vector.broadcast %jit3A_672 : f32 to vector<128x640xf32>
    %select_n3A_674 = arith.select %eq3A_671, %broadcast_in_dim3A_673, %select_n3A_646 : vector<128x640xi1>, vector<128x640xf32>
    %reduce_min3A_675 = arith.constant dense<0x7F800000> : vector<128xf32>
    %reduce_min3A_676 = vector.multi_reduction <minimumf>, %select_n3A_674, %reduce_min3A_675 [1] : vector<128x640xf32> to vector<128xf32>
    %broadcast_in_dim3A_677 = vector.shape_cast %reduce_min3A_676 : vector<128xf32> to vector<128x1xf32>
    %eq3A_678 = vector.broadcast %broadcast_in_dim3A_677 : vector<128x1xf32> to vector<128x640xf32>
    %eq3A_679 = arith.cmpf oeq, %select_n3A_674, %eq3A_678 : vector<128x640xf32>
    %jit3A_680 = arith.constant 1.000000e+09 : f32
    %broadcast_in_dim3A_681 = vector.broadcast %jit3A_680 : f32 to vector<128x640xf32>
    %select_n3A_682 = arith.select %eq3A_679, %concatenate3A_142, %broadcast_in_dim3A_681 : vector<128x640xi1>, vector<128x640xf32>
    %reduce_min3A_683 = arith.constant dense<0x7F800000> : vector<128xf32>
    %reduce_min3A_684 = vector.multi_reduction <minimumf>, %select_n3A_682, %reduce_min3A_683 [1] : vector<128x640xf32> to vector<128xf32>
    %broadcast_in_dim3A_685 = vector.shape_cast %reduce_min3A_684 : vector<128xf32> to vector<128x1xf32>
    %eq3A_686 = arith.constant 19 : i32
    %eq3A_687 = vector.broadcast %eq3A_686 : i32 to vector<128x32xi32>
    %eq3A_688 = arith.cmpi eq, %iota3A, %eq3A_687 : vector<128x32xi32>
    %broadcast_in_dim3A_689 = vector.shape_cast %broadcast_in_dim3A_685 : vector<128x1xf32> to vector<128x1xf32>
    %broadcast_in_dim3A_690 = vector.broadcast %broadcast_in_dim3A_689 : vector<128x1xf32> to vector<128x32xf32>
    %select_n3A_691 = arith.select %eq3A_688, %broadcast_in_dim3A_690, %select_n3A_663 : vector<128x32xi1>, vector<128x32xf32>
    %eq3A_692 = arith.constant 19 : i32
    %eq3A_693 = vector.broadcast %eq3A_692 : i32 to vector<128x32xi32>
    %eq3A_694 = arith.cmpi eq, %iota3A, %eq3A_693 : vector<128x32xi32>
    %broadcast_in_dim3A_695 = vector.shape_cast %broadcast_in_dim3A_677 : vector<128x1xf32> to vector<128x1xf32>
    %broadcast_in_dim3A_696 = vector.broadcast %broadcast_in_dim3A_695 : vector<128x1xf32> to vector<128x32xf32>
    %select_n3A_697 = arith.select %eq3A_694, %broadcast_in_dim3A_696, %select_n3A_669 : vector<128x32xi1>, vector<128x32xf32>
    %eq3A_698 = vector.broadcast %broadcast_in_dim3A_685 : vector<128x1xf32> to vector<128x640xf32>
    %eq3A_699 = arith.cmpf oeq, %concatenate3A_142, %eq3A_698 : vector<128x640xf32>
    %jit3A_700 = arith.constant 1.000000e+30 : f32
    %broadcast_in_dim3A_701 = vector.broadcast %jit3A_700 : f32 to vector<128x640xf32>
    %select_n3A_702 = arith.select %eq3A_699, %broadcast_in_dim3A_701, %select_n3A_674 : vector<128x640xi1>, vector<128x640xf32>
    %reduce_min3A_703 = arith.constant dense<0x7F800000> : vector<128xf32>
    %reduce_min3A_704 = vector.multi_reduction <minimumf>, %select_n3A_702, %reduce_min3A_703 [1] : vector<128x640xf32> to vector<128xf32>
    %broadcast_in_dim3A_705 = vector.shape_cast %reduce_min3A_704 : vector<128xf32> to vector<128x1xf32>
    %eq3A_706 = vector.broadcast %broadcast_in_dim3A_705 : vector<128x1xf32> to vector<128x640xf32>
    %eq3A_707 = arith.cmpf oeq, %select_n3A_702, %eq3A_706 : vector<128x640xf32>
    %jit3A_708 = arith.constant 1.000000e+09 : f32
    %broadcast_in_dim3A_709 = vector.broadcast %jit3A_708 : f32 to vector<128x640xf32>
    %select_n3A_710 = arith.select %eq3A_707, %concatenate3A_142, %broadcast_in_dim3A_709 : vector<128x640xi1>, vector<128x640xf32>
    %reduce_min3A_711 = arith.constant dense<0x7F800000> : vector<128xf32>
    %reduce_min3A_712 = vector.multi_reduction <minimumf>, %select_n3A_710, %reduce_min3A_711 [1] : vector<128x640xf32> to vector<128xf32>
    %broadcast_in_dim3A_713 = vector.shape_cast %reduce_min3A_712 : vector<128xf32> to vector<128x1xf32>
    %eq3A_714 = arith.constant 20 : i32
    %eq3A_715 = vector.broadcast %eq3A_714 : i32 to vector<128x32xi32>
    %eq3A_716 = arith.cmpi eq, %iota3A, %eq3A_715 : vector<128x32xi32>
    %broadcast_in_dim3A_717 = vector.shape_cast %broadcast_in_dim3A_713 : vector<128x1xf32> to vector<128x1xf32>
    %broadcast_in_dim3A_718 = vector.broadcast %broadcast_in_dim3A_717 : vector<128x1xf32> to vector<128x32xf32>
    %select_n3A_719 = arith.select %eq3A_716, %broadcast_in_dim3A_718, %select_n3A_691 : vector<128x32xi1>, vector<128x32xf32>
    %eq3A_720 = arith.constant 20 : i32
    %eq3A_721 = vector.broadcast %eq3A_720 : i32 to vector<128x32xi32>
    %eq3A_722 = arith.cmpi eq, %iota3A, %eq3A_721 : vector<128x32xi32>
    %broadcast_in_dim3A_723 = vector.shape_cast %broadcast_in_dim3A_705 : vector<128x1xf32> to vector<128x1xf32>
    %broadcast_in_dim3A_724 = vector.broadcast %broadcast_in_dim3A_723 : vector<128x1xf32> to vector<128x32xf32>
    %select_n3A_725 = arith.select %eq3A_722, %broadcast_in_dim3A_724, %select_n3A_697 : vector<128x32xi1>, vector<128x32xf32>
    %eq3A_726 = vector.broadcast %broadcast_in_dim3A_713 : vector<128x1xf32> to vector<128x640xf32>
    %eq3A_727 = arith.cmpf oeq, %concatenate3A_142, %eq3A_726 : vector<128x640xf32>
    %jit3A_728 = arith.constant 1.000000e+30 : f32
    %broadcast_in_dim3A_729 = vector.broadcast %jit3A_728 : f32 to vector<128x640xf32>
    %select_n3A_730 = arith.select %eq3A_727, %broadcast_in_dim3A_729, %select_n3A_702 : vector<128x640xi1>, vector<128x640xf32>
    %reduce_min3A_731 = arith.constant dense<0x7F800000> : vector<128xf32>
    %reduce_min3A_732 = vector.multi_reduction <minimumf>, %select_n3A_730, %reduce_min3A_731 [1] : vector<128x640xf32> to vector<128xf32>
    %broadcast_in_dim3A_733 = vector.shape_cast %reduce_min3A_732 : vector<128xf32> to vector<128x1xf32>
    %eq3A_734 = vector.broadcast %broadcast_in_dim3A_733 : vector<128x1xf32> to vector<128x640xf32>
    %eq3A_735 = arith.cmpf oeq, %select_n3A_730, %eq3A_734 : vector<128x640xf32>
    %jit3A_736 = arith.constant 1.000000e+09 : f32
    %broadcast_in_dim3A_737 = vector.broadcast %jit3A_736 : f32 to vector<128x640xf32>
    %select_n3A_738 = arith.select %eq3A_735, %concatenate3A_142, %broadcast_in_dim3A_737 : vector<128x640xi1>, vector<128x640xf32>
    %reduce_min3A_739 = arith.constant dense<0x7F800000> : vector<128xf32>
    %reduce_min3A_740 = vector.multi_reduction <minimumf>, %select_n3A_738, %reduce_min3A_739 [1] : vector<128x640xf32> to vector<128xf32>
    %broadcast_in_dim3A_741 = vector.shape_cast %reduce_min3A_740 : vector<128xf32> to vector<128x1xf32>
    %eq3A_742 = arith.constant 21 : i32
    %eq3A_743 = vector.broadcast %eq3A_742 : i32 to vector<128x32xi32>
    %eq3A_744 = arith.cmpi eq, %iota3A, %eq3A_743 : vector<128x32xi32>
    %broadcast_in_dim3A_745 = vector.shape_cast %broadcast_in_dim3A_741 : vector<128x1xf32> to vector<128x1xf32>
    %broadcast_in_dim3A_746 = vector.broadcast %broadcast_in_dim3A_745 : vector<128x1xf32> to vector<128x32xf32>
    %select_n3A_747 = arith.select %eq3A_744, %broadcast_in_dim3A_746, %select_n3A_719 : vector<128x32xi1>, vector<128x32xf32>
    %eq3A_748 = arith.constant 21 : i32
    %eq3A_749 = vector.broadcast %eq3A_748 : i32 to vector<128x32xi32>
    %eq3A_750 = arith.cmpi eq, %iota3A, %eq3A_749 : vector<128x32xi32>
    %broadcast_in_dim3A_751 = vector.shape_cast %broadcast_in_dim3A_733 : vector<128x1xf32> to vector<128x1xf32>
    %broadcast_in_dim3A_752 = vector.broadcast %broadcast_in_dim3A_751 : vector<128x1xf32> to vector<128x32xf32>
    %select_n3A_753 = arith.select %eq3A_750, %broadcast_in_dim3A_752, %select_n3A_725 : vector<128x32xi1>, vector<128x32xf32>
    %eq3A_754 = vector.broadcast %broadcast_in_dim3A_741 : vector<128x1xf32> to vector<128x640xf32>
    %eq3A_755 = arith.cmpf oeq, %concatenate3A_142, %eq3A_754 : vector<128x640xf32>
    %jit3A_756 = arith.constant 1.000000e+30 : f32
    %broadcast_in_dim3A_757 = vector.broadcast %jit3A_756 : f32 to vector<128x640xf32>
    %select_n3A_758 = arith.select %eq3A_755, %broadcast_in_dim3A_757, %select_n3A_730 : vector<128x640xi1>, vector<128x640xf32>
    %reduce_min3A_759 = arith.constant dense<0x7F800000> : vector<128xf32>
    %reduce_min3A_760 = vector.multi_reduction <minimumf>, %select_n3A_758, %reduce_min3A_759 [1] : vector<128x640xf32> to vector<128xf32>
    %broadcast_in_dim3A_761 = vector.shape_cast %reduce_min3A_760 : vector<128xf32> to vector<128x1xf32>
    %eq3A_762 = vector.broadcast %broadcast_in_dim3A_761 : vector<128x1xf32> to vector<128x640xf32>
    %eq3A_763 = arith.cmpf oeq, %select_n3A_758, %eq3A_762 : vector<128x640xf32>
    %jit3A_764 = arith.constant 1.000000e+09 : f32
    %broadcast_in_dim3A_765 = vector.broadcast %jit3A_764 : f32 to vector<128x640xf32>
    %select_n3A_766 = arith.select %eq3A_763, %concatenate3A_142, %broadcast_in_dim3A_765 : vector<128x640xi1>, vector<128x640xf32>
    %reduce_min3A_767 = arith.constant dense<0x7F800000> : vector<128xf32>
    %reduce_min3A_768 = vector.multi_reduction <minimumf>, %select_n3A_766, %reduce_min3A_767 [1] : vector<128x640xf32> to vector<128xf32>
    %broadcast_in_dim3A_769 = vector.shape_cast %reduce_min3A_768 : vector<128xf32> to vector<128x1xf32>
    %eq3A_770 = arith.constant 22 : i32
    %eq3A_771 = vector.broadcast %eq3A_770 : i32 to vector<128x32xi32>
    %eq3A_772 = arith.cmpi eq, %iota3A, %eq3A_771 : vector<128x32xi32>
    %broadcast_in_dim3A_773 = vector.shape_cast %broadcast_in_dim3A_769 : vector<128x1xf32> to vector<128x1xf32>
    %broadcast_in_dim3A_774 = vector.broadcast %broadcast_in_dim3A_773 : vector<128x1xf32> to vector<128x32xf32>
    %select_n3A_775 = arith.select %eq3A_772, %broadcast_in_dim3A_774, %select_n3A_747 : vector<128x32xi1>, vector<128x32xf32>
    %eq3A_776 = arith.constant 22 : i32
    %eq3A_777 = vector.broadcast %eq3A_776 : i32 to vector<128x32xi32>
    %eq3A_778 = arith.cmpi eq, %iota3A, %eq3A_777 : vector<128x32xi32>
    %broadcast_in_dim3A_779 = vector.shape_cast %broadcast_in_dim3A_761 : vector<128x1xf32> to vector<128x1xf32>
    %broadcast_in_dim3A_780 = vector.broadcast %broadcast_in_dim3A_779 : vector<128x1xf32> to vector<128x32xf32>
    %select_n3A_781 = arith.select %eq3A_778, %broadcast_in_dim3A_780, %select_n3A_753 : vector<128x32xi1>, vector<128x32xf32>
    %eq3A_782 = vector.broadcast %broadcast_in_dim3A_769 : vector<128x1xf32> to vector<128x640xf32>
    %eq3A_783 = arith.cmpf oeq, %concatenate3A_142, %eq3A_782 : vector<128x640xf32>
    %jit3A_784 = arith.constant 1.000000e+30 : f32
    %broadcast_in_dim3A_785 = vector.broadcast %jit3A_784 : f32 to vector<128x640xf32>
    %select_n3A_786 = arith.select %eq3A_783, %broadcast_in_dim3A_785, %select_n3A_758 : vector<128x640xi1>, vector<128x640xf32>
    %reduce_min3A_787 = arith.constant dense<0x7F800000> : vector<128xf32>
    %reduce_min3A_788 = vector.multi_reduction <minimumf>, %select_n3A_786, %reduce_min3A_787 [1] : vector<128x640xf32> to vector<128xf32>
    %broadcast_in_dim3A_789 = vector.shape_cast %reduce_min3A_788 : vector<128xf32> to vector<128x1xf32>
    %eq3A_790 = vector.broadcast %broadcast_in_dim3A_789 : vector<128x1xf32> to vector<128x640xf32>
    %eq3A_791 = arith.cmpf oeq, %select_n3A_786, %eq3A_790 : vector<128x640xf32>
    %jit3A_792 = arith.constant 1.000000e+09 : f32
    %broadcast_in_dim3A_793 = vector.broadcast %jit3A_792 : f32 to vector<128x640xf32>
    %select_n3A_794 = arith.select %eq3A_791, %concatenate3A_142, %broadcast_in_dim3A_793 : vector<128x640xi1>, vector<128x640xf32>
    %reduce_min3A_795 = arith.constant dense<0x7F800000> : vector<128xf32>
    %reduce_min3A_796 = vector.multi_reduction <minimumf>, %select_n3A_794, %reduce_min3A_795 [1] : vector<128x640xf32> to vector<128xf32>
    %broadcast_in_dim3A_797 = vector.shape_cast %reduce_min3A_796 : vector<128xf32> to vector<128x1xf32>
    %eq3A_798 = arith.constant 23 : i32
    %eq3A_799 = vector.broadcast %eq3A_798 : i32 to vector<128x32xi32>
    %eq3A_800 = arith.cmpi eq, %iota3A, %eq3A_799 : vector<128x32xi32>
    %broadcast_in_dim3A_801 = vector.shape_cast %broadcast_in_dim3A_797 : vector<128x1xf32> to vector<128x1xf32>
    %broadcast_in_dim3A_802 = vector.broadcast %broadcast_in_dim3A_801 : vector<128x1xf32> to vector<128x32xf32>
    %select_n3A_803 = arith.select %eq3A_800, %broadcast_in_dim3A_802, %select_n3A_775 : vector<128x32xi1>, vector<128x32xf32>
    %eq3A_804 = arith.constant 23 : i32
    %eq3A_805 = vector.broadcast %eq3A_804 : i32 to vector<128x32xi32>
    %eq3A_806 = arith.cmpi eq, %iota3A, %eq3A_805 : vector<128x32xi32>
    %broadcast_in_dim3A_807 = vector.shape_cast %broadcast_in_dim3A_789 : vector<128x1xf32> to vector<128x1xf32>
    %broadcast_in_dim3A_808 = vector.broadcast %broadcast_in_dim3A_807 : vector<128x1xf32> to vector<128x32xf32>
    %select_n3A_809 = arith.select %eq3A_806, %broadcast_in_dim3A_808, %select_n3A_781 : vector<128x32xi1>, vector<128x32xf32>
    %eq3A_810 = vector.broadcast %broadcast_in_dim3A_797 : vector<128x1xf32> to vector<128x640xf32>
    %eq3A_811 = arith.cmpf oeq, %concatenate3A_142, %eq3A_810 : vector<128x640xf32>
    %jit3A_812 = arith.constant 1.000000e+30 : f32
    %broadcast_in_dim3A_813 = vector.broadcast %jit3A_812 : f32 to vector<128x640xf32>
    %select_n3A_814 = arith.select %eq3A_811, %broadcast_in_dim3A_813, %select_n3A_786 : vector<128x640xi1>, vector<128x640xf32>
    %reduce_min3A_815 = arith.constant dense<0x7F800000> : vector<128xf32>
    %reduce_min3A_816 = vector.multi_reduction <minimumf>, %select_n3A_814, %reduce_min3A_815 [1] : vector<128x640xf32> to vector<128xf32>
    %broadcast_in_dim3A_817 = vector.shape_cast %reduce_min3A_816 : vector<128xf32> to vector<128x1xf32>
    %eq3A_818 = vector.broadcast %broadcast_in_dim3A_817 : vector<128x1xf32> to vector<128x640xf32>
    %eq3A_819 = arith.cmpf oeq, %select_n3A_814, %eq3A_818 : vector<128x640xf32>
    %jit3A_820 = arith.constant 1.000000e+09 : f32
    %broadcast_in_dim3A_821 = vector.broadcast %jit3A_820 : f32 to vector<128x640xf32>
    %select_n3A_822 = arith.select %eq3A_819, %concatenate3A_142, %broadcast_in_dim3A_821 : vector<128x640xi1>, vector<128x640xf32>
    %reduce_min3A_823 = arith.constant dense<0x7F800000> : vector<128xf32>
    %reduce_min3A_824 = vector.multi_reduction <minimumf>, %select_n3A_822, %reduce_min3A_823 [1] : vector<128x640xf32> to vector<128xf32>
    %broadcast_in_dim3A_825 = vector.shape_cast %reduce_min3A_824 : vector<128xf32> to vector<128x1xf32>
    %eq3A_826 = arith.constant 24 : i32
    %eq3A_827 = vector.broadcast %eq3A_826 : i32 to vector<128x32xi32>
    %eq3A_828 = arith.cmpi eq, %iota3A, %eq3A_827 : vector<128x32xi32>
    %broadcast_in_dim3A_829 = vector.shape_cast %broadcast_in_dim3A_825 : vector<128x1xf32> to vector<128x1xf32>
    %broadcast_in_dim3A_830 = vector.broadcast %broadcast_in_dim3A_829 : vector<128x1xf32> to vector<128x32xf32>
    %select_n3A_831 = arith.select %eq3A_828, %broadcast_in_dim3A_830, %select_n3A_803 : vector<128x32xi1>, vector<128x32xf32>
    %eq3A_832 = arith.constant 24 : i32
    %eq3A_833 = vector.broadcast %eq3A_832 : i32 to vector<128x32xi32>
    %eq3A_834 = arith.cmpi eq, %iota3A, %eq3A_833 : vector<128x32xi32>
    %broadcast_in_dim3A_835 = vector.shape_cast %broadcast_in_dim3A_817 : vector<128x1xf32> to vector<128x1xf32>
    %broadcast_in_dim3A_836 = vector.broadcast %broadcast_in_dim3A_835 : vector<128x1xf32> to vector<128x32xf32>
    %select_n3A_837 = arith.select %eq3A_834, %broadcast_in_dim3A_836, %select_n3A_809 : vector<128x32xi1>, vector<128x32xf32>
    %eq3A_838 = vector.broadcast %broadcast_in_dim3A_825 : vector<128x1xf32> to vector<128x640xf32>
    %eq3A_839 = arith.cmpf oeq, %concatenate3A_142, %eq3A_838 : vector<128x640xf32>
    %jit3A_840 = arith.constant 1.000000e+30 : f32
    %broadcast_in_dim3A_841 = vector.broadcast %jit3A_840 : f32 to vector<128x640xf32>
    %select_n3A_842 = arith.select %eq3A_839, %broadcast_in_dim3A_841, %select_n3A_814 : vector<128x640xi1>, vector<128x640xf32>
    %reduce_min3A_843 = arith.constant dense<0x7F800000> : vector<128xf32>
    %reduce_min3A_844 = vector.multi_reduction <minimumf>, %select_n3A_842, %reduce_min3A_843 [1] : vector<128x640xf32> to vector<128xf32>
    %broadcast_in_dim3A_845 = vector.shape_cast %reduce_min3A_844 : vector<128xf32> to vector<128x1xf32>
    %eq3A_846 = vector.broadcast %broadcast_in_dim3A_845 : vector<128x1xf32> to vector<128x640xf32>
    %eq3A_847 = arith.cmpf oeq, %select_n3A_842, %eq3A_846 : vector<128x640xf32>
    %jit3A_848 = arith.constant 1.000000e+09 : f32
    %broadcast_in_dim3A_849 = vector.broadcast %jit3A_848 : f32 to vector<128x640xf32>
    %select_n3A_850 = arith.select %eq3A_847, %concatenate3A_142, %broadcast_in_dim3A_849 : vector<128x640xi1>, vector<128x640xf32>
    %reduce_min3A_851 = arith.constant dense<0x7F800000> : vector<128xf32>
    %reduce_min3A_852 = vector.multi_reduction <minimumf>, %select_n3A_850, %reduce_min3A_851 [1] : vector<128x640xf32> to vector<128xf32>
    %broadcast_in_dim3A_853 = vector.shape_cast %reduce_min3A_852 : vector<128xf32> to vector<128x1xf32>
    %eq3A_854 = arith.constant 25 : i32
    %eq3A_855 = vector.broadcast %eq3A_854 : i32 to vector<128x32xi32>
    %eq3A_856 = arith.cmpi eq, %iota3A, %eq3A_855 : vector<128x32xi32>
    %broadcast_in_dim3A_857 = vector.shape_cast %broadcast_in_dim3A_853 : vector<128x1xf32> to vector<128x1xf32>
    %broadcast_in_dim3A_858 = vector.broadcast %broadcast_in_dim3A_857 : vector<128x1xf32> to vector<128x32xf32>
    %select_n3A_859 = arith.select %eq3A_856, %broadcast_in_dim3A_858, %select_n3A_831 : vector<128x32xi1>, vector<128x32xf32>
    %eq3A_860 = arith.constant 25 : i32
    %eq3A_861 = vector.broadcast %eq3A_860 : i32 to vector<128x32xi32>
    %eq3A_862 = arith.cmpi eq, %iota3A, %eq3A_861 : vector<128x32xi32>
    %broadcast_in_dim3A_863 = vector.shape_cast %broadcast_in_dim3A_845 : vector<128x1xf32> to vector<128x1xf32>
    %broadcast_in_dim3A_864 = vector.broadcast %broadcast_in_dim3A_863 : vector<128x1xf32> to vector<128x32xf32>
    %select_n3A_865 = arith.select %eq3A_862, %broadcast_in_dim3A_864, %select_n3A_837 : vector<128x32xi1>, vector<128x32xf32>
    %eq3A_866 = vector.broadcast %broadcast_in_dim3A_853 : vector<128x1xf32> to vector<128x640xf32>
    %eq3A_867 = arith.cmpf oeq, %concatenate3A_142, %eq3A_866 : vector<128x640xf32>
    %jit3A_868 = arith.constant 1.000000e+30 : f32
    %broadcast_in_dim3A_869 = vector.broadcast %jit3A_868 : f32 to vector<128x640xf32>
    %select_n3A_870 = arith.select %eq3A_867, %broadcast_in_dim3A_869, %select_n3A_842 : vector<128x640xi1>, vector<128x640xf32>
    %reduce_min3A_871 = arith.constant dense<0x7F800000> : vector<128xf32>
    %reduce_min3A_872 = vector.multi_reduction <minimumf>, %select_n3A_870, %reduce_min3A_871 [1] : vector<128x640xf32> to vector<128xf32>
    %broadcast_in_dim3A_873 = vector.shape_cast %reduce_min3A_872 : vector<128xf32> to vector<128x1xf32>
    %eq3A_874 = vector.broadcast %broadcast_in_dim3A_873 : vector<128x1xf32> to vector<128x640xf32>
    %eq3A_875 = arith.cmpf oeq, %select_n3A_870, %eq3A_874 : vector<128x640xf32>
    %jit3A_876 = arith.constant 1.000000e+09 : f32
    %broadcast_in_dim3A_877 = vector.broadcast %jit3A_876 : f32 to vector<128x640xf32>
    %select_n3A_878 = arith.select %eq3A_875, %concatenate3A_142, %broadcast_in_dim3A_877 : vector<128x640xi1>, vector<128x640xf32>
    %reduce_min3A_879 = arith.constant dense<0x7F800000> : vector<128xf32>
    %reduce_min3A_880 = vector.multi_reduction <minimumf>, %select_n3A_878, %reduce_min3A_879 [1] : vector<128x640xf32> to vector<128xf32>
    %broadcast_in_dim3A_881 = vector.shape_cast %reduce_min3A_880 : vector<128xf32> to vector<128x1xf32>
    %eq3A_882 = arith.constant 26 : i32
    %eq3A_883 = vector.broadcast %eq3A_882 : i32 to vector<128x32xi32>
    %eq3A_884 = arith.cmpi eq, %iota3A, %eq3A_883 : vector<128x32xi32>
    %broadcast_in_dim3A_885 = vector.shape_cast %broadcast_in_dim3A_881 : vector<128x1xf32> to vector<128x1xf32>
    %broadcast_in_dim3A_886 = vector.broadcast %broadcast_in_dim3A_885 : vector<128x1xf32> to vector<128x32xf32>
    %select_n3A_887 = arith.select %eq3A_884, %broadcast_in_dim3A_886, %select_n3A_859 : vector<128x32xi1>, vector<128x32xf32>
    %eq3A_888 = arith.constant 26 : i32
    %eq3A_889 = vector.broadcast %eq3A_888 : i32 to vector<128x32xi32>
    %eq3A_890 = arith.cmpi eq, %iota3A, %eq3A_889 : vector<128x32xi32>
    %broadcast_in_dim3A_891 = vector.shape_cast %broadcast_in_dim3A_873 : vector<128x1xf32> to vector<128x1xf32>
    %broadcast_in_dim3A_892 = vector.broadcast %broadcast_in_dim3A_891 : vector<128x1xf32> to vector<128x32xf32>
    %select_n3A_893 = arith.select %eq3A_890, %broadcast_in_dim3A_892, %select_n3A_865 : vector<128x32xi1>, vector<128x32xf32>
    %eq3A_894 = vector.broadcast %broadcast_in_dim3A_881 : vector<128x1xf32> to vector<128x640xf32>
    %eq3A_895 = arith.cmpf oeq, %concatenate3A_142, %eq3A_894 : vector<128x640xf32>
    %jit3A_896 = arith.constant 1.000000e+30 : f32
    %broadcast_in_dim3A_897 = vector.broadcast %jit3A_896 : f32 to vector<128x640xf32>
    %select_n3A_898 = arith.select %eq3A_895, %broadcast_in_dim3A_897, %select_n3A_870 : vector<128x640xi1>, vector<128x640xf32>
    %reduce_min3A_899 = arith.constant dense<0x7F800000> : vector<128xf32>
    %reduce_min3A_900 = vector.multi_reduction <minimumf>, %select_n3A_898, %reduce_min3A_899 [1] : vector<128x640xf32> to vector<128xf32>
    %broadcast_in_dim3A_901 = vector.shape_cast %reduce_min3A_900 : vector<128xf32> to vector<128x1xf32>
    %eq3A_902 = vector.broadcast %broadcast_in_dim3A_901 : vector<128x1xf32> to vector<128x640xf32>
    %eq3A_903 = arith.cmpf oeq, %select_n3A_898, %eq3A_902 : vector<128x640xf32>
    %jit3A_904 = arith.constant 1.000000e+09 : f32
    %broadcast_in_dim3A_905 = vector.broadcast %jit3A_904 : f32 to vector<128x640xf32>
    %select_n3A_906 = arith.select %eq3A_903, %concatenate3A_142, %broadcast_in_dim3A_905 : vector<128x640xi1>, vector<128x640xf32>
    %reduce_min3A_907 = arith.constant dense<0x7F800000> : vector<128xf32>
    %reduce_min3A_908 = vector.multi_reduction <minimumf>, %select_n3A_906, %reduce_min3A_907 [1] : vector<128x640xf32> to vector<128xf32>
    %broadcast_in_dim3A_909 = vector.shape_cast %reduce_min3A_908 : vector<128xf32> to vector<128x1xf32>
    %eq3A_910 = arith.constant 27 : i32
    %eq3A_911 = vector.broadcast %eq3A_910 : i32 to vector<128x32xi32>
    %eq3A_912 = arith.cmpi eq, %iota3A, %eq3A_911 : vector<128x32xi32>
    %broadcast_in_dim3A_913 = vector.shape_cast %broadcast_in_dim3A_909 : vector<128x1xf32> to vector<128x1xf32>
    %broadcast_in_dim3A_914 = vector.broadcast %broadcast_in_dim3A_913 : vector<128x1xf32> to vector<128x32xf32>
    %select_n3A_915 = arith.select %eq3A_912, %broadcast_in_dim3A_914, %select_n3A_887 : vector<128x32xi1>, vector<128x32xf32>
    %eq3A_916 = arith.constant 27 : i32
    %eq3A_917 = vector.broadcast %eq3A_916 : i32 to vector<128x32xi32>
    %eq3A_918 = arith.cmpi eq, %iota3A, %eq3A_917 : vector<128x32xi32>
    %broadcast_in_dim3A_919 = vector.shape_cast %broadcast_in_dim3A_901 : vector<128x1xf32> to vector<128x1xf32>
    %broadcast_in_dim3A_920 = vector.broadcast %broadcast_in_dim3A_919 : vector<128x1xf32> to vector<128x32xf32>
    %select_n3A_921 = arith.select %eq3A_918, %broadcast_in_dim3A_920, %select_n3A_893 : vector<128x32xi1>, vector<128x32xf32>
    %eq3A_922 = vector.broadcast %broadcast_in_dim3A_909 : vector<128x1xf32> to vector<128x640xf32>
    %eq3A_923 = arith.cmpf oeq, %concatenate3A_142, %eq3A_922 : vector<128x640xf32>
    %jit3A_924 = arith.constant 1.000000e+30 : f32
    %broadcast_in_dim3A_925 = vector.broadcast %jit3A_924 : f32 to vector<128x640xf32>
    %select_n3A_926 = arith.select %eq3A_923, %broadcast_in_dim3A_925, %select_n3A_898 : vector<128x640xi1>, vector<128x640xf32>
    %reduce_min3A_927 = arith.constant dense<0x7F800000> : vector<128xf32>
    %reduce_min3A_928 = vector.multi_reduction <minimumf>, %select_n3A_926, %reduce_min3A_927 [1] : vector<128x640xf32> to vector<128xf32>
    %broadcast_in_dim3A_929 = vector.shape_cast %reduce_min3A_928 : vector<128xf32> to vector<128x1xf32>
    %eq3A_930 = vector.broadcast %broadcast_in_dim3A_929 : vector<128x1xf32> to vector<128x640xf32>
    %eq3A_931 = arith.cmpf oeq, %select_n3A_926, %eq3A_930 : vector<128x640xf32>
    %jit3A_932 = arith.constant 1.000000e+09 : f32
    %broadcast_in_dim3A_933 = vector.broadcast %jit3A_932 : f32 to vector<128x640xf32>
    %select_n3A_934 = arith.select %eq3A_931, %concatenate3A_142, %broadcast_in_dim3A_933 : vector<128x640xi1>, vector<128x640xf32>
    %reduce_min3A_935 = arith.constant dense<0x7F800000> : vector<128xf32>
    %reduce_min3A_936 = vector.multi_reduction <minimumf>, %select_n3A_934, %reduce_min3A_935 [1] : vector<128x640xf32> to vector<128xf32>
    %broadcast_in_dim3A_937 = vector.shape_cast %reduce_min3A_936 : vector<128xf32> to vector<128x1xf32>
    %eq3A_938 = arith.constant 28 : i32
    %eq3A_939 = vector.broadcast %eq3A_938 : i32 to vector<128x32xi32>
    %eq3A_940 = arith.cmpi eq, %iota3A, %eq3A_939 : vector<128x32xi32>
    %broadcast_in_dim3A_941 = vector.shape_cast %broadcast_in_dim3A_937 : vector<128x1xf32> to vector<128x1xf32>
    %broadcast_in_dim3A_942 = vector.broadcast %broadcast_in_dim3A_941 : vector<128x1xf32> to vector<128x32xf32>
    %select_n3A_943 = arith.select %eq3A_940, %broadcast_in_dim3A_942, %select_n3A_915 : vector<128x32xi1>, vector<128x32xf32>
    %eq3A_944 = arith.constant 28 : i32
    %eq3A_945 = vector.broadcast %eq3A_944 : i32 to vector<128x32xi32>
    %eq3A_946 = arith.cmpi eq, %iota3A, %eq3A_945 : vector<128x32xi32>
    %broadcast_in_dim3A_947 = vector.shape_cast %broadcast_in_dim3A_929 : vector<128x1xf32> to vector<128x1xf32>
    %broadcast_in_dim3A_948 = vector.broadcast %broadcast_in_dim3A_947 : vector<128x1xf32> to vector<128x32xf32>
    %select_n3A_949 = arith.select %eq3A_946, %broadcast_in_dim3A_948, %select_n3A_921 : vector<128x32xi1>, vector<128x32xf32>
    %eq3A_950 = vector.broadcast %broadcast_in_dim3A_937 : vector<128x1xf32> to vector<128x640xf32>
    %eq3A_951 = arith.cmpf oeq, %concatenate3A_142, %eq3A_950 : vector<128x640xf32>
    %jit3A_952 = arith.constant 1.000000e+30 : f32
    %broadcast_in_dim3A_953 = vector.broadcast %jit3A_952 : f32 to vector<128x640xf32>
    %select_n3A_954 = arith.select %eq3A_951, %broadcast_in_dim3A_953, %select_n3A_926 : vector<128x640xi1>, vector<128x640xf32>
    %reduce_min3A_955 = arith.constant dense<0x7F800000> : vector<128xf32>
    %reduce_min3A_956 = vector.multi_reduction <minimumf>, %select_n3A_954, %reduce_min3A_955 [1] : vector<128x640xf32> to vector<128xf32>
    %broadcast_in_dim3A_957 = vector.shape_cast %reduce_min3A_956 : vector<128xf32> to vector<128x1xf32>
    %eq3A_958 = vector.broadcast %broadcast_in_dim3A_957 : vector<128x1xf32> to vector<128x640xf32>
    %eq3A_959 = arith.cmpf oeq, %select_n3A_954, %eq3A_958 : vector<128x640xf32>
    %jit3A_960 = arith.constant 1.000000e+09 : f32
    %broadcast_in_dim3A_961 = vector.broadcast %jit3A_960 : f32 to vector<128x640xf32>
    %select_n3A_962 = arith.select %eq3A_959, %concatenate3A_142, %broadcast_in_dim3A_961 : vector<128x640xi1>, vector<128x640xf32>
    %reduce_min3A_963 = arith.constant dense<0x7F800000> : vector<128xf32>
    %reduce_min3A_964 = vector.multi_reduction <minimumf>, %select_n3A_962, %reduce_min3A_963 [1] : vector<128x640xf32> to vector<128xf32>
    %broadcast_in_dim3A_965 = vector.shape_cast %reduce_min3A_964 : vector<128xf32> to vector<128x1xf32>
    %eq3A_966 = arith.constant 29 : i32
    %eq3A_967 = vector.broadcast %eq3A_966 : i32 to vector<128x32xi32>
    %eq3A_968 = arith.cmpi eq, %iota3A, %eq3A_967 : vector<128x32xi32>
    %broadcast_in_dim3A_969 = vector.shape_cast %broadcast_in_dim3A_965 : vector<128x1xf32> to vector<128x1xf32>
    %broadcast_in_dim3A_970 = vector.broadcast %broadcast_in_dim3A_969 : vector<128x1xf32> to vector<128x32xf32>
    %select_n3A_971 = arith.select %eq3A_968, %broadcast_in_dim3A_970, %select_n3A_943 : vector<128x32xi1>, vector<128x32xf32>
    %eq3A_972 = arith.constant 29 : i32
    %eq3A_973 = vector.broadcast %eq3A_972 : i32 to vector<128x32xi32>
    %eq3A_974 = arith.cmpi eq, %iota3A, %eq3A_973 : vector<128x32xi32>
    %broadcast_in_dim3A_975 = vector.shape_cast %broadcast_in_dim3A_957 : vector<128x1xf32> to vector<128x1xf32>
    %broadcast_in_dim3A_976 = vector.broadcast %broadcast_in_dim3A_975 : vector<128x1xf32> to vector<128x32xf32>
    %select_n3A_977 = arith.select %eq3A_974, %broadcast_in_dim3A_976, %select_n3A_949 : vector<128x32xi1>, vector<128x32xf32>
    %eq3A_978 = vector.broadcast %broadcast_in_dim3A_965 : vector<128x1xf32> to vector<128x640xf32>
    %eq3A_979 = arith.cmpf oeq, %concatenate3A_142, %eq3A_978 : vector<128x640xf32>
    %jit3A_980 = arith.constant 1.000000e+30 : f32
    %broadcast_in_dim3A_981 = vector.broadcast %jit3A_980 : f32 to vector<128x640xf32>
    %select_n3A_982 = arith.select %eq3A_979, %broadcast_in_dim3A_981, %select_n3A_954 : vector<128x640xi1>, vector<128x640xf32>
    %reduce_min3A_983 = arith.constant dense<0x7F800000> : vector<128xf32>
    %reduce_min3A_984 = vector.multi_reduction <minimumf>, %select_n3A_982, %reduce_min3A_983 [1] : vector<128x640xf32> to vector<128xf32>
    %broadcast_in_dim3A_985 = vector.shape_cast %reduce_min3A_984 : vector<128xf32> to vector<128x1xf32>
    %eq3A_986 = vector.broadcast %broadcast_in_dim3A_985 : vector<128x1xf32> to vector<128x640xf32>
    %eq3A_987 = arith.cmpf oeq, %select_n3A_982, %eq3A_986 : vector<128x640xf32>
    %jit3A_988 = arith.constant 1.000000e+09 : f32
    %broadcast_in_dim3A_989 = vector.broadcast %jit3A_988 : f32 to vector<128x640xf32>
    %select_n3A_990 = arith.select %eq3A_987, %concatenate3A_142, %broadcast_in_dim3A_989 : vector<128x640xi1>, vector<128x640xf32>
    %reduce_min3A_991 = arith.constant dense<0x7F800000> : vector<128xf32>
    %reduce_min3A_992 = vector.multi_reduction <minimumf>, %select_n3A_990, %reduce_min3A_991 [1] : vector<128x640xf32> to vector<128xf32>
    %broadcast_in_dim3A_993 = vector.shape_cast %reduce_min3A_992 : vector<128xf32> to vector<128x1xf32>
    %eq3A_994 = arith.constant 30 : i32
    %eq3A_995 = vector.broadcast %eq3A_994 : i32 to vector<128x32xi32>
    %eq3A_996 = arith.cmpi eq, %iota3A, %eq3A_995 : vector<128x32xi32>
    %broadcast_in_dim3A_997 = vector.shape_cast %broadcast_in_dim3A_993 : vector<128x1xf32> to vector<128x1xf32>
    %broadcast_in_dim3A_998 = vector.broadcast %broadcast_in_dim3A_997 : vector<128x1xf32> to vector<128x32xf32>
    %select_n3A_999 = arith.select %eq3A_996, %broadcast_in_dim3A_998, %select_n3A_971 : vector<128x32xi1>, vector<128x32xf32>
    %eq3A_1000 = arith.constant 30 : i32
    %eq3A_1001 = vector.broadcast %eq3A_1000 : i32 to vector<128x32xi32>
    %eq3A_1002 = arith.cmpi eq, %iota3A, %eq3A_1001 : vector<128x32xi32>
    %broadcast_in_dim3A_1003 = vector.shape_cast %broadcast_in_dim3A_985 : vector<128x1xf32> to vector<128x1xf32>
    %broadcast_in_dim3A_1004 = vector.broadcast %broadcast_in_dim3A_1003 : vector<128x1xf32> to vector<128x32xf32>
    %select_n3A_1005 = arith.select %eq3A_1002, %broadcast_in_dim3A_1004, %select_n3A_977 : vector<128x32xi1>, vector<128x32xf32>
    %eq3A_1006 = vector.broadcast %broadcast_in_dim3A_993 : vector<128x1xf32> to vector<128x640xf32>
    %eq3A_1007 = arith.cmpf oeq, %concatenate3A_142, %eq3A_1006 : vector<128x640xf32>
    %jit3A_1008 = arith.constant 1.000000e+30 : f32
    %broadcast_in_dim3A_1009 = vector.broadcast %jit3A_1008 : f32 to vector<128x640xf32>
    %select_n3A_1010 = arith.select %eq3A_1007, %broadcast_in_dim3A_1009, %select_n3A_982 : vector<128x640xi1>, vector<128x640xf32>
    %reduce_min3A_1011 = arith.constant dense<0x7F800000> : vector<128xf32>
    %reduce_min3A_1012 = vector.multi_reduction <minimumf>, %select_n3A_1010, %reduce_min3A_1011 [1] : vector<128x640xf32> to vector<128xf32>
    %broadcast_in_dim3A_1013 = vector.shape_cast %reduce_min3A_1012 : vector<128xf32> to vector<128x1xf32>
    %eq3A_1014 = vector.broadcast %broadcast_in_dim3A_1013 : vector<128x1xf32> to vector<128x640xf32>
    %eq3A_1015 = arith.cmpf oeq, %select_n3A_1010, %eq3A_1014 : vector<128x640xf32>
    %jit3A_1016 = arith.constant 1.000000e+09 : f32
    %broadcast_in_dim3A_1017 = vector.broadcast %jit3A_1016 : f32 to vector<128x640xf32>
    %select_n3A_1018 = arith.select %eq3A_1015, %concatenate3A_142, %broadcast_in_dim3A_1017 : vector<128x640xi1>, vector<128x640xf32>
    %reduce_min3A_1019 = arith.constant dense<0x7F800000> : vector<128xf32>
    %reduce_min3A_1020 = vector.multi_reduction <minimumf>, %select_n3A_1018, %reduce_min3A_1019 [1] : vector<128x640xf32> to vector<128xf32>
    %broadcast_in_dim3A_1021 = vector.shape_cast %reduce_min3A_1020 : vector<128xf32> to vector<128x1xf32>
    %eq3A_1022 = arith.constant 31 : i32
    %eq3A_1023 = vector.broadcast %eq3A_1022 : i32 to vector<128x32xi32>
    %eq3A_1024 = arith.cmpi eq, %iota3A, %eq3A_1023 : vector<128x32xi32>
    %broadcast_in_dim3A_1025 = vector.shape_cast %broadcast_in_dim3A_1021 : vector<128x1xf32> to vector<128x1xf32>
    %broadcast_in_dim3A_1026 = vector.broadcast %broadcast_in_dim3A_1025 : vector<128x1xf32> to vector<128x32xf32>
    %select_n3A_1027 = arith.select %eq3A_1024, %broadcast_in_dim3A_1026, %select_n3A_999 : vector<128x32xi1>, vector<128x32xf32>
    %eq3A_1028 = arith.constant 31 : i32
    %eq3A_1029 = vector.broadcast %eq3A_1028 : i32 to vector<128x32xi32>
    %eq3A_1030 = arith.cmpi eq, %iota3A, %eq3A_1029 : vector<128x32xi32>
    %broadcast_in_dim3A_1031 = vector.shape_cast %broadcast_in_dim3A_1013 : vector<128x1xf32> to vector<128x1xf32>
    %broadcast_in_dim3A_1032 = vector.broadcast %broadcast_in_dim3A_1031 : vector<128x1xf32> to vector<128x32xf32>
    %select_n3A_1033 = arith.select %eq3A_1030, %broadcast_in_dim3A_1032, %select_n3A_1005 : vector<128x32xi1>, vector<128x32xf32>
    %swap3A = arith.constant 0 : index
    %swap3A_1034 = arith.constant 0 : index
    %swap3A_1035 = vector.load %arg6[%swap3A, %swap3A_1034] : memref<128x32xf32, #tpu.memory_space<vmem>>, vector<128x32xf32>
    tpu.vector_store %arg6[%swap3A, %swap3A_1034], %select_n3A_1027 {strides = array<i32>} : memref<128x32xf32, #tpu.memory_space<vmem>>, vector<128x32xf32>,
    %swap3A_1036 = arith.constant 0 : index
    %swap3A_1037 = arith.constant 0 : index
    %swap3A_1038 = vector.load %arg7[%swap3A_1036, %swap3A_1037] : memref<128x32xf32, #tpu.memory_space<vmem>>, vector<128x32xf32>
    tpu.vector_store %arg7[%swap3A_1036, %swap3A_1037], %select_n3A_1033 {strides = array<i32>} : memref<128x32xf32, #tpu.memory_space<vmem>>, vector<128x32xf32>,
    return
  }
  func.func @transform_0(%arg0: i32) -> (i32, i32) {
    %c0_i32 = arith.constant 0 : i32
    %c0_i32_0 = arith.constant 0 : i32
    return %arg0, %c0_i32 : i32, i32
  }
  func.func @transform_1(%arg0: i32) -> (i32, i32) {
    %c0_i32 = arith.constant 0 : i32
    %c0_i32_0 = arith.constant 0 : i32
    return %arg0, %c0_i32 : i32, i32
  }
  func.func @transform_2(%arg0: i32) -> (i32, i32) {
    %c0_i32 = arith.constant 0 : i32
    %c0_i32_0 = arith.constant 0 : i32
    return %arg0, %c0_i32 : i32, i32
  }
  func.func @transform_3(%arg0: i32) -> (i32, i32) {
    %c0_i32 = arith.constant 0 : i32
    %c0_i32_0 = arith.constant 0 : i32
    return %arg0, %c0_i32 : i32, i32
  }
  func.func @transform_4(%arg0: i32) -> (i32, i32) {
    %c0_i32 = arith.constant 0 : i32
    %c0_i32_0 = arith.constant 0 : i32
    return %arg0, %c0_i32 : i32, i32
  }
  func.func @transform_5(%arg0: i32) -> (i32, i32) {
    %c0_i32 = arith.constant 0 : i32
    %c0_i32_0 = arith.constant 0 : i32
    return %arg0, %c0_i32 : i32, i32
  }
  func.func @transform_6(%arg0: i32) -> (i32, i32) {
    %c0_i32 = arith.constant 0 : i32
    %c0_i32_0 = arith.constant 0 : i32
    return %arg0, %c0_i32 : i32, i32
  }
}

module attributes {stable_mosaic.version = 14 : i64} {
  func.func @_edge_body(%arg0: i32, %arg1: memref<4x4096xf32, #tpu.memory_space<vmem>>, %arg2: memref<8x256xf32, #tpu.memory_space<vmem>>, %arg3: memref<1x256xf32, #tpu.memory_space<vmem>>, %arg4: memref<1x256xf32, #tpu.memory_space<vmem>>, %arg5: memref<1x256xf32, #tpu.memory_space<vmem>>, %arg6: memref<256x256xf32, #tpu.memory_space<vmem>>, %arg7: memref<1x256xf32, #tpu.memory_space<vmem>>, %arg8: memref<1x256xf32, #tpu.memory_space<vmem>>, %arg9: memref<1x256xf32, #tpu.memory_space<vmem>>, %arg10: memref<4096x256xf32, #tpu.memory_space<vmem>>) attributes {dimension_semantics = [#tpu.dimension_semantics<arbitrary>], iteration_bounds = array<i64: 47>, scalar_prefetch = 0 : i64, scratch_operands = 0 : i64, tpu.core_type = #tpu.core_type<tc>, window_params = [{transform_indices = @transform_0, window_bounds = array<i64: 4, 4096>}, {pipeline_mode = #tpu.pipeline_mode<synchronous>, transform_indices = @transform_1, window_bounds = array<i64: 8, 256>}, {pipeline_mode = #tpu.pipeline_mode<synchronous>, transform_indices = @transform_2, window_bounds = array<i64: 1, 256>}, {pipeline_mode = #tpu.pipeline_mode<synchronous>, transform_indices = @transform_3, window_bounds = array<i64: 1, 256>}, {pipeline_mode = #tpu.pipeline_mode<synchronous>, transform_indices = @transform_4, window_bounds = array<i64: 1, 256>}, {pipeline_mode = #tpu.pipeline_mode<synchronous>, transform_indices = @transform_5, window_bounds = array<i64: 256, 256>}, {pipeline_mode = #tpu.pipeline_mode<synchronous>, transform_indices = @transform_6, window_bounds = array<i64: 1, 256>}, {pipeline_mode = #tpu.pipeline_mode<synchronous>, transform_indices = @transform_7, window_bounds = array<i64: 1, 256>}, {pipeline_mode = #tpu.pipeline_mode<synchronous>, transform_indices = @transform_8, window_bounds = array<i64: 1, 256>}, {transform_indices = @transform_9, window_bounds = array<i64: 4096, 256>}]} {
    %get3A = arith.constant 0 : index
    %get3A_0 = arith.constant 0 : index
    %get3A_1 = vector.load %arg1[%get3A, %get3A_0] : memref<4x4096xf32, #tpu.memory_space<vmem>>, vector<4x4096xf32>
    %slice3A = vector.extract_strided_slice %get3A_1 {offsets = [0, 0], sizes = [1, 4096], strides = [1, 1]} : vector<4x4096xf32> to vector<1x4096xf32>
    %slice3A_2 = vector.extract_strided_slice %get3A_1 {offsets = [1, 0], sizes = [1, 4096], strides = [1, 1]} : vector<4x4096xf32> to vector<1x4096xf32>
    %add3A = arith.constant 5.000000e-01 : f32
    %add3A_3 = vector.broadcast %add3A : f32 to vector<1x4096xf32>
    %add3A_4 = arith.addf %slice3A, %add3A_3 : vector<1x4096xf32>
    %mul3A = arith.constant 0.00138888892 : f32
    %mul3A_5 = vector.broadcast %mul3A : f32 to vector<1x4096xf32>
    %mul3A_6 = arith.mulf %add3A_4, %mul3A_5 : vector<1x4096xf32>
    %floor3A = math.floor %mul3A_6 : vector<1x4096xf32>
    %mul3A_7 = arith.constant 7.200000e+02 : f32
    %mul3A_8 = vector.broadcast %mul3A_7 : f32 to vector<1x4096xf32>
    %mul3A_9 = arith.mulf %mul3A_8, %floor3A : vector<1x4096xf32>
    %sub3A = arith.subf %slice3A, %mul3A_9 : vector<1x4096xf32>
    %mul3A_10 = arith.constant 5.000000e-01 : f32
    %mul3A_11 = vector.broadcast %mul3A_10 : f32 to vector<1x4096xf32>
    %mul3A_12 = arith.mulf %floor3A, %mul3A_11 : vector<1x4096xf32>
    %sub3A_13 = arith.constant 9.000000e+01 : f32
    %sub3A_14 = vector.broadcast %sub3A_13 : f32 to vector<1x4096xf32>
    %sub3A_15 = arith.subf %mul3A_12, %sub3A_14 : vector<1x4096xf32>
    %mul3A_16 = arith.constant 0.0174532924 : f32
    %mul3A_17 = vector.broadcast %mul3A_16 : f32 to vector<1x4096xf32>
    %mul3A_18 = arith.mulf %sub3A_15, %mul3A_17 : vector<1x4096xf32>
    %mul3A_19 = arith.constant 0.00873878319 : f32
    %mul3A_20 = vector.broadcast %mul3A_19 : f32 to vector<1x4096xf32>
    %mul3A_21 = arith.mulf %sub3A, %mul3A_20 : vector<1x4096xf32>
    %slice3A_22 = vector.extract_strided_slice %get3A_1 {offsets = [2, 0], sizes = [1, 4096], strides = [1, 1]} : vector<4x4096xf32> to vector<1x4096xf32>
    %slice3A_23 = vector.extract_strided_slice %get3A_1 {offsets = [3, 0], sizes = [1, 4096], strides = [1, 1]} : vector<4x4096xf32> to vector<1x4096xf32>
    %le3A = arith.constant 8.250000e+01 : f32
    %le3A_24 = vector.broadcast %le3A : f32 to vector<1x4096xf32>
    %le3A_25 = arith.cmpf ole, %slice3A_2, %le3A_24 : vector<1x4096xf32>
    %convert_element_type3A = arith.extui %le3A_25 : vector<1x4096xi1> to vector<1x4096xi32>
    %convert_element_type3A_26 = arith.sitofp %convert_element_type3A : vector<1x4096xi32> to vector<1x4096xf32>
    %sub3A_27 = arith.subf %mul3A_18, %slice3A_22 : vector<1x4096xf32>
    %sub3A_28 = arith.subf %mul3A_21, %slice3A_23 : vector<1x4096xf32>
    %mul3A_29 = arith.constant 0.0174532924 : f32
    %mul3A_30 = vector.broadcast %mul3A_29 : f32 to vector<1x4096xf32>
    %mul3A_31 = arith.mulf %slice3A_22, %mul3A_30 : vector<1x4096xf32>
    %sub3A_32 = arith.subf %mul3A_18, %mul3A_31 : vector<1x4096xf32>
    %cos3A = math.cos %sub3A_32 : vector<1x4096xf32>
    %mul3A_33 = arith.constant 0.0174532924 : f32
    %mul3A_34 = vector.broadcast %mul3A_33 : f32 to vector<1x4096xf32>
    %mul3A_35 = arith.mulf %slice3A_23, %mul3A_34 : vector<1x4096xf32>
    %sub3A_36 = arith.subf %mul3A_21, %mul3A_35 : vector<1x4096xf32>
    %sin3A = math.sin %sub3A_36 : vector<1x4096xf32>
    %broadcast_in_dim3A = arith.constant 0.000000e+00 : f32
    %broadcast_in_dim3A_37 = vector.broadcast %broadcast_in_dim3A : f32 to vector<1x4096xf32>
    %concatenate3A = tpu.concatenate %sub3A_27, %sub3A_28, %slice3A_2, %cos3A, %sin3A, %broadcast_in_dim3A_37, %broadcast_in_dim3A_37, %broadcast_in_dim3A_37 in 0 : vector<1x4096xf32>, vector<1x4096xf32>, vector<1x4096xf32>, vector<1x4096xf32>, vector<1x4096xf32>, vector<1x4096xf32>, vector<1x4096xf32>, vector<1x4096xf32> -> vector<8x4096xf32>
    %transpose3A = tpu.transpose %concatenate3A, [1, 0] : vector<8x4096xf32> -> vector<4096x8xf32>
    %transpose3A_38 = tpu.transpose %convert_element_type3A_26, [1, 0] : vector<1x4096xf32> -> vector<4096x1xf32>
    %get3A_39 = arith.constant 0 : index
    %get3A_40 = arith.constant 0 : index
    %get3A_41 = vector.load %arg2[%get3A_39, %get3A_40] : memref<8x256xf32, #tpu.memory_space<vmem>>, vector<8x256xf32>
    %dot_general3A = arith.constant dense<0.000000e+00> : vector<4096x256xf32>
    %dot_general3A_42 = tpu.matmul %transpose3A, %get3A_41, %dot_general3A {dimension_numbers = #tpu.dot_dimension_numbers<[1], [0], [0], [1], [0, 0, 1, 1], [], []>, transpose_lhs_hint = false} : vector<4096x8xf32>, vector<8x256xf32>, vector<4096x256xf32> -> vector<4096x256xf32>
    %get3A_43 = arith.constant 0 : index
    %get3A_44 = arith.constant 0 : index
    %get3A_45 = vector.load %arg3[%get3A_43, %get3A_44] : memref<1x256xf32, #tpu.memory_space<vmem>>, vector<1x256xf32>
    %add3A_46 = vector.broadcast %get3A_45 : vector<1x256xf32> to vector<4096x256xf32>
    %add3A_47 = arith.addf %dot_general3A_42, %add3A_46 : vector<4096x256xf32>
    %max3A = arith.constant 0.000000e+00 : f32
    %max3A_48 = vector.broadcast %max3A : f32 to vector<4096x256xf32>
    %max3A_49 = arith.maximumf %add3A_47, %max3A_48 : vector<4096x256xf32>
    %reduce_sum3A = arith.constant dense<0.000000e+00> : vector<4096xf32>
    %reduce_sum3A_50 = vector.multi_reduction <add>, %max3A_49, %reduce_sum3A [1] : vector<4096x256xf32> to vector<4096xf32>
    %broadcast_in_dim3A_51 = vector.shape_cast %reduce_sum3A_50 : vector<4096xf32> to vector<4096x1xf32>
    %div3A = arith.constant 2.560000e+02 : f32
    %div3A_52 = vector.broadcast %div3A : f32 to vector<4096x1xf32>
    %div3A_53 = arith.divf %broadcast_in_dim3A_51, %div3A_52 : vector<4096x1xf32>
    %sub3A_54 = vector.broadcast %div3A_53 : vector<4096x1xf32> to vector<4096x256xf32>
    %sub3A_55 = arith.subf %max3A_49, %sub3A_54 : vector<4096x256xf32>
    %integer_pow3A = arith.mulf %sub3A_55, %sub3A_55 : vector<4096x256xf32>
    %reduce_sum3A_56 = arith.constant dense<0.000000e+00> : vector<4096xf32>
    %reduce_sum3A_57 = vector.multi_reduction <add>, %integer_pow3A, %reduce_sum3A_56 [1] : vector<4096x256xf32> to vector<4096xf32>
    %broadcast_in_dim3A_58 = vector.shape_cast %reduce_sum3A_57 : vector<4096xf32> to vector<4096x1xf32>
    %div3A_59 = arith.constant 2.560000e+02 : f32
    %div3A_60 = vector.broadcast %div3A_59 : f32 to vector<4096x1xf32>
    %div3A_61 = arith.divf %broadcast_in_dim3A_58, %div3A_60 : vector<4096x1xf32>
    %sub3A_62 = vector.broadcast %div3A_53 : vector<4096x1xf32> to vector<4096x256xf32>
    %sub3A_63 = arith.subf %max3A_49, %sub3A_62 : vector<4096x256xf32>
    %add3A_64 = arith.constant 9.99999974E-6 : f32
    %add3A_65 = vector.broadcast %add3A_64 : f32 to vector<4096x1xf32>
    %add3A_66 = arith.addf %div3A_61, %add3A_65 : vector<4096x1xf32>
    %sqrt3A = math.sqrt %add3A_66 : vector<4096x1xf32>
    %div3A_67 = vector.broadcast %sqrt3A : vector<4096x1xf32> to vector<4096x256xf32>
    %div3A_68 = arith.divf %sub3A_63, %div3A_67 : vector<4096x256xf32>
    %get3A_69 = arith.constant 0 : index
    %get3A_70 = arith.constant 0 : index
    %get3A_71 = vector.load %arg4[%get3A_69, %get3A_70] : memref<1x256xf32, #tpu.memory_space<vmem>>, vector<1x256xf32>
    %mul3A_72 = vector.broadcast %get3A_71 : vector<1x256xf32> to vector<4096x256xf32>
    %mul3A_73 = arith.mulf %div3A_68, %mul3A_72 : vector<4096x256xf32>
    %get3A_74 = arith.constant 0 : index
    %get3A_75 = arith.constant 0 : index
    %get3A_76 = vector.load %arg5[%get3A_74, %get3A_75] : memref<1x256xf32, #tpu.memory_space<vmem>>, vector<1x256xf32>
    %add3A_77 = vector.broadcast %get3A_76 : vector<1x256xf32> to vector<4096x256xf32>
    %add3A_78 = arith.addf %mul3A_73, %add3A_77 : vector<4096x256xf32>
    %get3A_79 = arith.constant 0 : index
    %get3A_80 = arith.constant 0 : index
    %get3A_81 = vector.load %arg6[%get3A_79, %get3A_80] : memref<256x256xf32, #tpu.memory_space<vmem>>, vector<256x256xf32>
    %dot_general3A_82 = arith.constant dense<0.000000e+00> : vector<4096x256xf32>
    %dot_general3A_83 = tpu.matmul %add3A_78, %get3A_81, %dot_general3A_82 {dimension_numbers = #tpu.dot_dimension_numbers<[1], [0], [0], [1], [0, 0, 1, 1], [], []>, transpose_lhs_hint = false} : vector<4096x256xf32>, vector<256x256xf32>, vector<4096x256xf32> -> vector<4096x256xf32>
    %get3A_84 = arith.constant 0 : index
    %get3A_85 = arith.constant 0 : index
    %get3A_86 = vector.load %arg7[%get3A_84, %get3A_85] : memref<1x256xf32, #tpu.memory_space<vmem>>, vector<1x256xf32>
    %add3A_87 = vector.broadcast %get3A_86 : vector<1x256xf32> to vector<4096x256xf32>
    %add3A_88 = arith.addf %dot_general3A_83, %add3A_87 : vector<4096x256xf32>
    %max3A_89 = arith.constant 0.000000e+00 : f32
    %max3A_90 = vector.broadcast %max3A_89 : f32 to vector<4096x256xf32>
    %max3A_91 = arith.maximumf %add3A_88, %max3A_90 : vector<4096x256xf32>
    %reduce_sum3A_92 = arith.constant dense<0.000000e+00> : vector<4096xf32>
    %reduce_sum3A_93 = vector.multi_reduction <add>, %max3A_91, %reduce_sum3A_92 [1] : vector<4096x256xf32> to vector<4096xf32>
    %broadcast_in_dim3A_94 = vector.shape_cast %reduce_sum3A_93 : vector<4096xf32> to vector<4096x1xf32>
    %div3A_95 = arith.constant 2.560000e+02 : f32
    %div3A_96 = vector.broadcast %div3A_95 : f32 to vector<4096x1xf32>
    %div3A_97 = arith.divf %broadcast_in_dim3A_94, %div3A_96 : vector<4096x1xf32>
    %sub3A_98 = vector.broadcast %div3A_97 : vector<4096x1xf32> to vector<4096x256xf32>
    %sub3A_99 = arith.subf %max3A_91, %sub3A_98 : vector<4096x256xf32>
    %integer_pow3A_100 = arith.mulf %sub3A_99, %sub3A_99 : vector<4096x256xf32>
    %reduce_sum3A_101 = arith.constant dense<0.000000e+00> : vector<4096xf32>
    %reduce_sum3A_102 = vector.multi_reduction <add>, %integer_pow3A_100, %reduce_sum3A_101 [1] : vector<4096x256xf32> to vector<4096xf32>
    %broadcast_in_dim3A_103 = vector.shape_cast %reduce_sum3A_102 : vector<4096xf32> to vector<4096x1xf32>
    %div3A_104 = arith.constant 2.560000e+02 : f32
    %div3A_105 = vector.broadcast %div3A_104 : f32 to vector<4096x1xf32>
    %div3A_106 = arith.divf %broadcast_in_dim3A_103, %div3A_105 : vector<4096x1xf32>
    %sub3A_107 = vector.broadcast %div3A_97 : vector<4096x1xf32> to vector<4096x256xf32>
    %sub3A_108 = arith.subf %max3A_91, %sub3A_107 : vector<4096x256xf32>
    %add3A_109 = arith.constant 9.99999974E-6 : f32
    %add3A_110 = vector.broadcast %add3A_109 : f32 to vector<4096x1xf32>
    %add3A_111 = arith.addf %div3A_106, %add3A_110 : vector<4096x1xf32>
    %sqrt3A_112 = math.sqrt %add3A_111 : vector<4096x1xf32>
    %div3A_113 = vector.broadcast %sqrt3A_112 : vector<4096x1xf32> to vector<4096x256xf32>
    %div3A_114 = arith.divf %sub3A_108, %div3A_113 : vector<4096x256xf32>
    %get3A_115 = arith.constant 0 : index
    %get3A_116 = arith.constant 0 : index
    %get3A_117 = vector.load %arg8[%get3A_115, %get3A_116] : memref<1x256xf32, #tpu.memory_space<vmem>>, vector<1x256xf32>
    %mul3A_118 = vector.broadcast %get3A_117 : vector<1x256xf32> to vector<4096x256xf32>
    %mul3A_119 = arith.mulf %div3A_114, %mul3A_118 : vector<4096x256xf32>
    %get3A_120 = arith.constant 0 : index
    %get3A_121 = arith.constant 0 : index
    %get3A_122 = vector.load %arg9[%get3A_120, %get3A_121] : memref<1x256xf32, #tpu.memory_space<vmem>>, vector<1x256xf32>
    %add3A_123 = vector.broadcast %get3A_122 : vector<1x256xf32> to vector<4096x256xf32>
    %add3A_124 = arith.addf %mul3A_119, %add3A_123 : vector<4096x256xf32>
    %mul3A_125 = vector.broadcast %transpose3A_38 : vector<4096x1xf32> to vector<4096x256xf32>
    %mul3A_126 = arith.mulf %add3A_124, %mul3A_125 : vector<4096x256xf32>
    %swap3A = arith.constant 0 : index
    %swap3A_127 = arith.constant 0 : index
    %swap3A_128 = vector.load %arg10[%swap3A, %swap3A_127] : memref<4096x256xf32, #tpu.memory_space<vmem>>, vector<4096x256xf32>
    tpu.vector_store %arg10[%swap3A, %swap3A_127], %mul3A_126 {strides = array<i32>} : memref<4096x256xf32, #tpu.memory_space<vmem>>, vector<4096x256xf32>,
    return
  }
  func.func @transform_0(%arg0: i32) -> (i32, i32) {
    %c0_i32 = arith.constant 0 : i32
    %c0_i32_0 = arith.constant 0 : i32
    return %c0_i32, %arg0 : i32, i32
  }
  func.func @transform_1(%arg0: i32) -> (i32, i32) {
    %c0_i32 = arith.constant 0 : i32
    %c0_i32_0 = arith.constant 0 : i32
    %c0_i32_1 = arith.constant 0 : i32
    return %c0_i32, %c0_i32_0 : i32, i32
  }
  func.func @transform_2(%arg0: i32) -> (i32, i32) {
    %c0_i32 = arith.constant 0 : i32
    %c0_i32_0 = arith.constant 0 : i32
    %c0_i32_1 = arith.constant 0 : i32
    return %c0_i32, %c0_i32_0 : i32, i32
  }
  func.func @transform_3(%arg0: i32) -> (i32, i32) {
    %c0_i32 = arith.constant 0 : i32
    %c0_i32_0 = arith.constant 0 : i32
    %c0_i32_1 = arith.constant 0 : i32
    return %c0_i32, %c0_i32_0 : i32, i32
  }
  func.func @transform_4(%arg0: i32) -> (i32, i32) {
    %c0_i32 = arith.constant 0 : i32
    %c0_i32_0 = arith.constant 0 : i32
    %c0_i32_1 = arith.constant 0 : i32
    return %c0_i32, %c0_i32_0 : i32, i32
  }
  func.func @transform_5(%arg0: i32) -> (i32, i32) {
    %c0_i32 = arith.constant 0 : i32
    %c0_i32_0 = arith.constant 0 : i32
    %c0_i32_1 = arith.constant 0 : i32
    return %c0_i32, %c0_i32_0 : i32, i32
  }
  func.func @transform_6(%arg0: i32) -> (i32, i32) {
    %c0_i32 = arith.constant 0 : i32
    %c0_i32_0 = arith.constant 0 : i32
    %c0_i32_1 = arith.constant 0 : i32
    return %c0_i32, %c0_i32_0 : i32, i32
  }
  func.func @transform_7(%arg0: i32) -> (i32, i32) {
    %c0_i32 = arith.constant 0 : i32
    %c0_i32_0 = arith.constant 0 : i32
    %c0_i32_1 = arith.constant 0 : i32
    return %c0_i32, %c0_i32_0 : i32, i32
  }
  func.func @transform_8(%arg0: i32) -> (i32, i32) {
    %c0_i32 = arith.constant 0 : i32
    %c0_i32_0 = arith.constant 0 : i32
    %c0_i32_1 = arith.constant 0 : i32
    return %c0_i32, %c0_i32_0 : i32, i32
  }
  func.func @transform_9(%arg0: i32) -> (i32, i32) {
    %c0_i32 = arith.constant 0 : i32
    %c0_i32_0 = arith.constant 0 : i32
    return %arg0, %c0_i32 : i32, i32
  }
}

module attributes {stable_mosaic.version = 14 : i64} {
  func.func @_node_body(%arg0: i32, %arg1: memref<128x32xf32, #tpu.memory_space<vmem>>, %arg2: memref<128x32x128xf32, #tpu.memory_space<vmem>>, %arg3: memref<1x128xf32, #tpu.memory_space<vmem>>, %arg4: memref<1x128xf32, #tpu.memory_space<vmem>>, %arg5: memref<128x256xf32, #tpu.memory_space<vmem>>, %arg6: memref<1x256xf32, #tpu.memory_space<vmem>>, %arg7: memref<1x256xf32, #tpu.memory_space<vmem>>, %arg8: memref<1x256xf32, #tpu.memory_space<vmem>>, %arg9: memref<256x256xf32, #tpu.memory_space<vmem>>, %arg10: memref<1x256xf32, #tpu.memory_space<vmem>>, %arg11: memref<1x256xf32, #tpu.memory_space<vmem>>, %arg12: memref<1x256xf32, #tpu.memory_space<vmem>>, %arg13: memref<128x256xf32, #tpu.memory_space<vmem>>) attributes {dimension_semantics = [#tpu.dimension_semantics<arbitrary>], iteration_bounds = array<i64: 47>, scalar_prefetch = 0 : i64, scratch_operands = 0 : i64, tpu.core_type = #tpu.core_type<tc>, window_params = [{transform_indices = @transform_0, window_bounds = array<i64: 128, 32>}, {transform_indices = @transform_1, window_bounds = array<i64: 128, 32, 128>}, {pipeline_mode = #tpu.pipeline_mode<synchronous>, transform_indices = @transform_2, window_bounds = array<i64: 1, 128>}, {pipeline_mode = #tpu.pipeline_mode<synchronous>, transform_indices = @transform_3, window_bounds = array<i64: 1, 128>}, {pipeline_mode = #tpu.pipeline_mode<synchronous>, transform_indices = @transform_4, window_bounds = array<i64: 128, 256>}, {pipeline_mode = #tpu.pipeline_mode<synchronous>, transform_indices = @transform_5, window_bounds = array<i64: 1, 256>}, {pipeline_mode = #tpu.pipeline_mode<synchronous>, transform_indices = @transform_6, window_bounds = array<i64: 1, 256>}, {pipeline_mode = #tpu.pipeline_mode<synchronous>, transform_indices = @transform_7, window_bounds = array<i64: 1, 256>}, {pipeline_mode = #tpu.pipeline_mode<synchronous>, transform_indices = @transform_8, window_bounds = array<i64: 256, 256>}, {pipeline_mode = #tpu.pipeline_mode<synchronous>, transform_indices = @transform_9, window_bounds = array<i64: 1, 256>}, {pipeline_mode = #tpu.pipeline_mode<synchronous>, transform_indices = @transform_10, window_bounds = array<i64: 1, 256>}, {pipeline_mode = #tpu.pipeline_mode<synchronous>, transform_indices = @transform_11, window_bounds = array<i64: 1, 256>}, {transform_indices = @transform_12, window_bounds = array<i64: 128, 256>}]} {
    %get3A = arith.constant 0 : index
    %get3A_0 = arith.constant 0 : index
    %get3A_1 = vector.load %arg1[%get3A, %get3A_0] : memref<128x32xf32, #tpu.memory_space<vmem>>, vector<128x32xf32>
    %le3A = arith.constant 8.250000e+01 : f32
    %le3A_2 = vector.broadcast %le3A : f32 to vector<128x32xf32>
    %le3A_3 = arith.cmpf ole, %get3A_1, %le3A_2 : vector<128x32xf32>
    %convert_element_type3A = arith.extui %le3A_3 : vector<128x32xi1> to vector<128x32xi32>
    %convert_element_type3A_4 = arith.sitofp %convert_element_type3A : vector<128x32xi32> to vector<128x32xf32>
    %neg3A = arith.constant 0.000000e+00 : f32
    %neg3A_5 = vector.broadcast %neg3A : f32 to vector<128x32xf32>
    %neg3A_6 = arith.subf %neg3A_5, %get3A_1 : vector<128x32xf32>
    %div3A = arith.constant 8.250000e+01 : f32
    %div3A_7 = vector.broadcast %div3A : f32 to vector<128x32xf32>
    %div3A_8 = arith.divf %neg3A_6, %div3A_7 : vector<128x32xf32>
    %exp3A = math.exp %div3A_8 : vector<128x32xf32>
    %mul3A = arith.mulf %exp3A, %convert_element_type3A_4 : vector<128x32xf32>
    %reduce_sum3A = arith.constant dense<0.000000e+00> : vector<128xf32>
    %reduce_sum3A_9 = vector.multi_reduction <add>, %mul3A, %reduce_sum3A [1] : vector<128x32xf32> to vector<128xf32>
    %broadcast_in_dim3A = vector.shape_cast %reduce_sum3A_9 : vector<128xf32> to vector<128x1xf32>
    %add3A = arith.constant 1.000000e-07 : f32
    %add3A_10 = vector.broadcast %add3A : f32 to vector<128x1xf32>
    %add3A_11 = arith.addf %broadcast_in_dim3A, %add3A_10 : vector<128x1xf32>
    %div3A_12 = vector.broadcast %add3A_11 : vector<128x1xf32> to vector<128x32xf32>
    %div3A_13 = arith.divf %mul3A, %div3A_12 : vector<128x32xf32>
    %reduce_sum3A_14 = arith.constant dense<0.000000e+00> : vector<128xf32>
    %reduce_sum3A_15 = vector.multi_reduction <add>, %div3A_13, %reduce_sum3A_14 [1] : vector<128x32xf32> to vector<128xf32>
    %broadcast_in_dim3A_16 = vector.shape_cast %reduce_sum3A_15 : vector<128xf32> to vector<128x1xf32>
    %get3A_17 = arith.constant 0 : index
    %get3A_18 = arith.constant 0 : index
    %get3A_19 = arith.constant 0 : index
    %get3A_20 = vector.load %arg2[%get3A_17, %get3A_18, %get3A_19] : memref<128x32x128xf32, #tpu.memory_space<vmem>>, vector<128x32x128xf32>
    %broadcast_in_dim3A_21 = vector.shape_cast %div3A_13 : vector<128x32xf32> to vector<128x32x1xf32>
    %mul3A_22 = vector.broadcast %broadcast_in_dim3A_21 : vector<128x32x1xf32> to vector<128x32x128xf32>
    %mul3A_23 = arith.mulf %get3A_20, %mul3A_22 : vector<128x32x128xf32>
    %reduce_sum3A_24 = arith.constant dense<0.000000e+00> : vector<128x128xf32>
    %reduce_sum3A_25 = vector.multi_reduction <add>, %mul3A_23, %reduce_sum3A_24 [1] : vector<128x32x128xf32> to vector<128x128xf32>
    %get3A_26 = arith.constant 0 : index
    %get3A_27 = arith.constant 0 : index
    %get3A_28 = vector.load %arg3[%get3A_26, %get3A_27] : memref<1x128xf32, #tpu.memory_space<vmem>>, vector<1x128xf32>
    %mul3A_29 = vector.broadcast %get3A_28 : vector<1x128xf32> to vector<128x128xf32>
    %mul3A_30 = vector.broadcast %broadcast_in_dim3A_16 : vector<128x1xf32> to vector<128x128xf32>
    %mul3A_31 = arith.mulf %mul3A_29, %mul3A_30 : vector<128x128xf32>
    %sub3A = arith.subf %reduce_sum3A_25, %mul3A_31 : vector<128x128xf32>
    %get3A_32 = arith.constant 0 : index
    %get3A_33 = arith.constant 0 : index
    %get3A_34 = vector.load %arg4[%get3A_32, %get3A_33] : memref<1x128xf32, #tpu.memory_space<vmem>>, vector<1x128xf32>
    %add3A_35 = arith.constant 1.000000e-07 : f32
    %add3A_36 = vector.broadcast %add3A_35 : f32 to vector<1x128xf32>
    %add3A_37 = arith.addf %get3A_34, %add3A_36 : vector<1x128xf32>
    %div3A_38 = vector.broadcast %add3A_37 : vector<1x128xf32> to vector<128x128xf32>
    %div3A_39 = arith.divf %sub3A, %div3A_38 : vector<128x128xf32>
    %get3A_40 = arith.constant 0 : index
    %get3A_41 = arith.constant 0 : index
    %get3A_42 = vector.load %arg5[%get3A_40, %get3A_41] : memref<128x256xf32, #tpu.memory_space<vmem>>, vector<128x256xf32>
    %dot_general3A = arith.constant dense<0.000000e+00> : vector<128x256xf32>
    %dot_general3A_43 = tpu.matmul %div3A_39, %get3A_42, %dot_general3A {dimension_numbers = #tpu.dot_dimension_numbers<[1], [0], [0], [1], [0, 0, 1, 1], [], []>, transpose_lhs_hint = false} : vector<128x128xf32>, vector<128x256xf32>, vector<128x256xf32> -> vector<128x256xf32>
    %get3A_44 = arith.constant 0 : index
    %get3A_45 = arith.constant 0 : index
    %get3A_46 = vector.load %arg6[%get3A_44, %get3A_45] : memref<1x256xf32, #tpu.memory_space<vmem>>, vector<1x256xf32>
    %add3A_47 = vector.broadcast %get3A_46 : vector<1x256xf32> to vector<128x256xf32>
    %add3A_48 = arith.addf %dot_general3A_43, %add3A_47 : vector<128x256xf32>
    %max3A = arith.constant 0.000000e+00 : f32
    %max3A_49 = vector.broadcast %max3A : f32 to vector<128x256xf32>
    %max3A_50 = arith.maximumf %add3A_48, %max3A_49 : vector<128x256xf32>
    %reduce_sum3A_51 = arith.constant dense<0.000000e+00> : vector<128xf32>
    %reduce_sum3A_52 = vector.multi_reduction <add>, %max3A_50, %reduce_sum3A_51 [1] : vector<128x256xf32> to vector<128xf32>
    %broadcast_in_dim3A_53 = vector.shape_cast %reduce_sum3A_52 : vector<128xf32> to vector<128x1xf32>
    %div3A_54 = arith.constant 2.560000e+02 : f32
    %div3A_55 = vector.broadcast %div3A_54 : f32 to vector<128x1xf32>
    %div3A_56 = arith.divf %broadcast_in_dim3A_53, %div3A_55 : vector<128x1xf32>
    %sub3A_57 = vector.broadcast %div3A_56 : vector<128x1xf32> to vector<128x256xf32>
    %sub3A_58 = arith.subf %max3A_50, %sub3A_57 : vector<128x256xf32>
    %integer_pow3A = arith.mulf %sub3A_58, %sub3A_58 : vector<128x256xf32>
    %reduce_sum3A_59 = arith.constant dense<0.000000e+00> : vector<128xf32>
    %reduce_sum3A_60 = vector.multi_reduction <add>, %integer_pow3A, %reduce_sum3A_59 [1] : vector<128x256xf32> to vector<128xf32>
    %broadcast_in_dim3A_61 = vector.shape_cast %reduce_sum3A_60 : vector<128xf32> to vector<128x1xf32>
    %div3A_62 = arith.constant 2.560000e+02 : f32
    %div3A_63 = vector.broadcast %div3A_62 : f32 to vector<128x1xf32>
    %div3A_64 = arith.divf %broadcast_in_dim3A_61, %div3A_63 : vector<128x1xf32>
    %sub3A_65 = vector.broadcast %div3A_56 : vector<128x1xf32> to vector<128x256xf32>
    %sub3A_66 = arith.subf %max3A_50, %sub3A_65 : vector<128x256xf32>
    %add3A_67 = arith.constant 9.99999974E-6 : f32
    %add3A_68 = vector.broadcast %add3A_67 : f32 to vector<128x1xf32>
    %add3A_69 = arith.addf %div3A_64, %add3A_68 : vector<128x1xf32>
    %sqrt3A = math.sqrt %add3A_69 : vector<128x1xf32>
    %div3A_70 = vector.broadcast %sqrt3A : vector<128x1xf32> to vector<128x256xf32>
    %div3A_71 = arith.divf %sub3A_66, %div3A_70 : vector<128x256xf32>
    %get3A_72 = arith.constant 0 : index
    %get3A_73 = arith.constant 0 : index
    %get3A_74 = vector.load %arg7[%get3A_72, %get3A_73] : memref<1x256xf32, #tpu.memory_space<vmem>>, vector<1x256xf32>
    %mul3A_75 = vector.broadcast %get3A_74 : vector<1x256xf32> to vector<128x256xf32>
    %mul3A_76 = arith.mulf %div3A_71, %mul3A_75 : vector<128x256xf32>
    %get3A_77 = arith.constant 0 : index
    %get3A_78 = arith.constant 0 : index
    %get3A_79 = vector.load %arg8[%get3A_77, %get3A_78] : memref<1x256xf32, #tpu.memory_space<vmem>>, vector<1x256xf32>
    %add3A_80 = vector.broadcast %get3A_79 : vector<1x256xf32> to vector<128x256xf32>
    %add3A_81 = arith.addf %mul3A_76, %add3A_80 : vector<128x256xf32>
    %get3A_82 = arith.constant 0 : index
    %get3A_83 = arith.constant 0 : index
    %get3A_84 = vector.load %arg9[%get3A_82, %get3A_83] : memref<256x256xf32, #tpu.memory_space<vmem>>, vector<256x256xf32>
    %dot_general3A_85 = arith.constant dense<0.000000e+00> : vector<128x256xf32>
    %dot_general3A_86 = tpu.matmul %add3A_81, %get3A_84, %dot_general3A_85 {dimension_numbers = #tpu.dot_dimension_numbers<[1], [0], [0], [1], [0, 0, 1, 1], [], []>, transpose_lhs_hint = false} : vector<128x256xf32>, vector<256x256xf32>, vector<128x256xf32> -> vector<128x256xf32>
    %get3A_87 = arith.constant 0 : index
    %get3A_88 = arith.constant 0 : index
    %get3A_89 = vector.load %arg10[%get3A_87, %get3A_88] : memref<1x256xf32, #tpu.memory_space<vmem>>, vector<1x256xf32>
    %add3A_90 = vector.broadcast %get3A_89 : vector<1x256xf32> to vector<128x256xf32>
    %add3A_91 = arith.addf %dot_general3A_86, %add3A_90 : vector<128x256xf32>
    %max3A_92 = arith.constant 0.000000e+00 : f32
    %max3A_93 = vector.broadcast %max3A_92 : f32 to vector<128x256xf32>
    %max3A_94 = arith.maximumf %add3A_91, %max3A_93 : vector<128x256xf32>
    %reduce_sum3A_95 = arith.constant dense<0.000000e+00> : vector<128xf32>
    %reduce_sum3A_96 = vector.multi_reduction <add>, %max3A_94, %reduce_sum3A_95 [1] : vector<128x256xf32> to vector<128xf32>
    %broadcast_in_dim3A_97 = vector.shape_cast %reduce_sum3A_96 : vector<128xf32> to vector<128x1xf32>
    %div3A_98 = arith.constant 2.560000e+02 : f32
    %div3A_99 = vector.broadcast %div3A_98 : f32 to vector<128x1xf32>
    %div3A_100 = arith.divf %broadcast_in_dim3A_97, %div3A_99 : vector<128x1xf32>
    %sub3A_101 = vector.broadcast %div3A_100 : vector<128x1xf32> to vector<128x256xf32>
    %sub3A_102 = arith.subf %max3A_94, %sub3A_101 : vector<128x256xf32>
    %integer_pow3A_103 = arith.mulf %sub3A_102, %sub3A_102 : vector<128x256xf32>
    %reduce_sum3A_104 = arith.constant dense<0.000000e+00> : vector<128xf32>
    %reduce_sum3A_105 = vector.multi_reduction <add>, %integer_pow3A_103, %reduce_sum3A_104 [1] : vector<128x256xf32> to vector<128xf32>
    %broadcast_in_dim3A_106 = vector.shape_cast %reduce_sum3A_105 : vector<128xf32> to vector<128x1xf32>
    %div3A_107 = arith.constant 2.560000e+02 : f32
    %div3A_108 = vector.broadcast %div3A_107 : f32 to vector<128x1xf32>
    %div3A_109 = arith.divf %broadcast_in_dim3A_106, %div3A_108 : vector<128x1xf32>
    %sub3A_110 = vector.broadcast %div3A_100 : vector<128x1xf32> to vector<128x256xf32>
    %sub3A_111 = arith.subf %max3A_94, %sub3A_110 : vector<128x256xf32>
    %add3A_112 = arith.constant 9.99999974E-6 : f32
    %add3A_113 = vector.broadcast %add3A_112 : f32 to vector<128x1xf32>
    %add3A_114 = arith.addf %div3A_109, %add3A_113 : vector<128x1xf32>
    %sqrt3A_115 = math.sqrt %add3A_114 : vector<128x1xf32>
    %div3A_116 = vector.broadcast %sqrt3A_115 : vector<128x1xf32> to vector<128x256xf32>
    %div3A_117 = arith.divf %sub3A_111, %div3A_116 : vector<128x256xf32>
    %get3A_118 = arith.constant 0 : index
    %get3A_119 = arith.constant 0 : index
    %get3A_120 = vector.load %arg11[%get3A_118, %get3A_119] : memref<1x256xf32, #tpu.memory_space<vmem>>, vector<1x256xf32>
    %mul3A_121 = vector.broadcast %get3A_120 : vector<1x256xf32> to vector<128x256xf32>
    %mul3A_122 = arith.mulf %div3A_117, %mul3A_121 : vector<128x256xf32>
    %get3A_123 = arith.constant 0 : index
    %get3A_124 = arith.constant 0 : index
    %get3A_125 = vector.load %arg12[%get3A_123, %get3A_124] : memref<1x256xf32, #tpu.memory_space<vmem>>, vector<1x256xf32>
    %add3A_126 = vector.broadcast %get3A_125 : vector<1x256xf32> to vector<128x256xf32>
    %add3A_127 = arith.addf %mul3A_122, %add3A_126 : vector<128x256xf32>
    %swap3A = arith.constant 0 : index
    %swap3A_128 = arith.constant 0 : index
    %swap3A_129 = vector.load %arg13[%swap3A, %swap3A_128] : memref<128x256xf32, #tpu.memory_space<vmem>>, vector<128x256xf32>
    tpu.vector_store %arg13[%swap3A, %swap3A_128], %add3A_127 {strides = array<i32>} : memref<128x256xf32, #tpu.memory_space<vmem>>, vector<128x256xf32>,
    return
  }
  func.func @transform_0(%arg0: i32) -> (i32, i32) {
    %c0_i32 = arith.constant 0 : i32
    %c0_i32_0 = arith.constant 0 : i32
    return %arg0, %c0_i32 : i32, i32
  }
  func.func @transform_1(%arg0: i32) -> (i32, i32, i32) {
    %c0_i32 = arith.constant 0 : i32
    %c0_i32_0 = arith.constant 0 : i32
    %c0_i32_1 = arith.constant 0 : i32
    return %arg0, %c0_i32, %c0_i32_0 : i32, i32, i32
  }
  func.func @transform_2(%arg0: i32) -> (i32, i32) {
    %c0_i32 = arith.constant 0 : i32
    %c0_i32_0 = arith.constant 0 : i32
    %c0_i32_1 = arith.constant 0 : i32
    return %c0_i32, %c0_i32_0 : i32, i32
  }
  func.func @transform_3(%arg0: i32) -> (i32, i32) {
    %c0_i32 = arith.constant 0 : i32
    %c0_i32_0 = arith.constant 0 : i32
    %c0_i32_1 = arith.constant 0 : i32
    return %c0_i32, %c0_i32_0 : i32, i32
  }
  func.func @transform_4(%arg0: i32) -> (i32, i32) {
    %c0_i32 = arith.constant 0 : i32
    %c0_i32_0 = arith.constant 0 : i32
    %c0_i32_1 = arith.constant 0 : i32
    return %c0_i32, %c0_i32_0 : i32, i32
  }
  func.func @transform_5(%arg0: i32) -> (i32, i32) {
    %c0_i32 = arith.constant 0 : i32
    %c0_i32_0 = arith.constant 0 : i32
    %c0_i32_1 = arith.constant 0 : i32
    return %c0_i32, %c0_i32_0 : i32, i32
  }
  func.func @transform_6(%arg0: i32) -> (i32, i32) {
    %c0_i32 = arith.constant 0 : i32
    %c0_i32_0 = arith.constant 0 : i32
    %c0_i32_1 = arith.constant 0 : i32
    return %c0_i32, %c0_i32_0 : i32, i32
  }
  func.func @transform_7(%arg0: i32) -> (i32, i32) {
    %c0_i32 = arith.constant 0 : i32
    %c0_i32_0 = arith.constant 0 : i32
    %c0_i32_1 = arith.constant 0 : i32
    return %c0_i32, %c0_i32_0 : i32, i32
  }
  func.func @transform_8(%arg0: i32) -> (i32, i32) {
    %c0_i32 = arith.constant 0 : i32
    %c0_i32_0 = arith.constant 0 : i32
    %c0_i32_1 = arith.constant 0 : i32
    return %c0_i32, %c0_i32_0 : i32, i32
  }
  func.func @transform_9(%arg0: i32) -> (i32, i32) {
    %c0_i32 = arith.constant 0 : i32
    %c0_i32_0 = arith.constant 0 : i32
    %c0_i32_1 = arith.constant 0 : i32
    return %c0_i32, %c0_i32_0 : i32, i32
  }
  func.func @transform_10(%arg0: i32) -> (i32, i32) {
    %c0_i32 = arith.constant 0 : i32
    %c0_i32_0 = arith.constant 0 : i32
    %c0_i32_1 = arith.constant 0 : i32
    return %c0_i32, %c0_i32_0 : i32, i32
  }
  func.func @transform_11(%arg0: i32) -> (i32, i32) {
    %c0_i32 = arith.constant 0 : i32
    %c0_i32_0 = arith.constant 0 : i32
    %c0_i32_1 = arith.constant 0 : i32
    return %c0_i32, %c0_i32_0 : i32, i32
  }
  func.func @transform_12(%arg0: i32) -> (i32, i32) {
    %c0_i32 = arith.constant 0 : i32
    %c0_i32_0 = arith.constant 0 : i32
    return %arg0, %c0_i32 : i32, i32
  }
}

</mosaic_0001>

<sc_bundles>
// kernel: kernel.6.cloned.1.call-start
scs
__scs_entry_jumppad:
0x0: {  	(pc) =	sbr.rel $0x88, $3  }
0x1: {  	(tag) =	ssettag $0x0;
	lr =	simm.s32 $0x1  }
0x2: {  	[smem:$0x3F8D] =	sst lr;
	_ =	strace $0xD0000000  }
0x3: {  	_ = 	snop  }
0x4: {  	_ = 	snop  }
0x5: {  	_ = 	snop  }
0x6: {  	_ = 	snop  }
0x7: {  	_ = 	snop  }
__scs_overlays_trampoline_lowered:
0x8: {  	[smem:$0x3F9C] =	sst s0  }
0x9: {  	[smem:$0x3F9D] =	sst s1  }
0xa: {  	[smem:$0x3F9E] =	sst s2  }
0xb: {  	[smem:$0x3F9F] =	sst s3  }
0xc: {  	[smem:$0x3FA0] =	sst s4  }
0xd: {  	[smem:$0x3FA1] =	sst s5  }
0xe: {  	[smem:$0x3FA2] =	sst s6  }
0xf: {  	[smem:$0x3FA3] =	sst s7  }
0x10: {  	[smem:$0x3FA4] =	sst s8  }
0x11: {  	[smem:$0x3FA5] =	sst s9;
	s0 =	simm.s32 @!p0 $0x0  }
0x12: {  	s1 =	sld [smem:$0x3F8B];
	s0 =	simm.s32 @p0 $0x1  }
0x13: {  	[smem:$0x3FA6] =	sst s0;
	s0 =	simm.s32 @!p1 $0x0  }
0x14: {  	s2 =	sld [smem:$0x3F8A];
	s0 =	simm.s32 @p1 $0x1  }
0x15: {  	[smem:$0x3FA7] =	sst s0;
	s0 =	simm.s32 @!p2 $0x0  }
0x16: {  	s3 =	sld [smem:$0x3FDB];
	s0 =	simm.s32 @p2 $0x1  }
0x17: {  	s4 =	simm.s32 $0x1BF5;
	[smem:$0x3FA9] =	sst s0  }
0x18: {  	s0 =	sld [smem:$0x3F8C];
	_ =	swait.ge [sflag:s4], $0x0  }
0x19: {  	s7 =	sld [smem:$0x3F8D]  }
0x1a: {  	s8 =	sadd.s32 $0xFFFFE003, lr  }
0x1b: {  	s9 =	sadd.s32 $0xFFFFFEF7, lr;
	s5 =	simm.s32 $0xFFFFFFFF;
	p2 =	slt.u32 s8, $0xFFFFF086  }
0x1c: {  	p1 =	slt.u32 s9, $0xF7A;
	s5 =	simm.s32 @!p2 $0x0  }
0x1d: {  	s5 =	simm.s32 @p1 $0x1;
	p0 =	seq.s32 s7, s2  }
0x1e: {  	s7 =	smul.u32 @!p0 $0xF7A, s2;
	p2 =	seq.s32 @!p0 s5, $0x0  }
0x1f: {  	s9 =	smul.u32 $0xF7A, s1;
	s8 =	simm.s32 @!p0 $0x1BF5;
	p2 =	por !p2, p0  }
0x20: {  	[sflag:s8] =	ssyncset.s32 @!p0 $0xFFFFF086;
	s6 =	sadd.s32 @!p0 s3, s7;
	s7 =	simm.s32 @!p0 $0x108  }
0x21: {  	s3 =	sadd.s32 s3, s9;
	s6 =	sadd.s32 @!p0 $0x88, s6;
	s7 =	simm.s32 @p2 $0x1082  }
0x22: {  	[simem:s7], [sflag:s8] =	dma.local @!p0 [hbm:s6], $0xF7A  }
0x23: {  	s9 =	sor.u32 $0xD0000000, s2;
	s6 =	simm.s32 $0x108;
	_ =	swait.ge @!p0 [sflag:s8], $0x0  }
0x24: {  	s3 =	sadd.s32 $0x88, s3;
	s6 =	simm.s32 @!p1 $0x1082;
	[sflag:s4] =	ssyncset.s32 $0xFFFFF086  }
0x25: {  	[simem:s6], [sflag:s4] =	dma.local [hbm:s3], $0xF7A  }
0x26: {  	[smem:$0x3F8D] =	sst s1;
	(tag) =	ssettag s2;
	_ =	strace s9  }
0x27: {  	s1 =	sld [smem:$0x3F9D]  }
0x28: {  	s2 =	sld [smem:$0x3F9E]  }
0x29: {  	s4 =	sld [smem:$0x3FA0]  }
0x2a: {  	p0 =	seq.s32 s5, $0x0;
	s5 =	sld [smem:$0x3FA1]  }
0x2b: {  	s6 =	sld [smem:$0x3FA2]  }
0x2c: {  	s7 =	sld [smem:$0x3FA3]  }
0x2d: {  	s3 =	simm.s32 $0x108;
	s8 =	sld [smem:$0x3FA4]  }
0x2e: {  	s3 =	simm.s32 @!p0 $0x1082;
	s9 =	sld [smem:$0x3FA5]  }
0x2f: {  	lr =	sadd.s32 s0, s3;
	s0 =	sld [smem:$0x3F9C]  }
0x30: {  	s3 =	sld [smem:$0x3F9F]  }
0x31: {  	[smem:$0x3FA8] =	sst s10  }
0x32: {  	s10 =	sld [smem:$0x3FA6];
	_ =	sdelay $0x3  }
0x33: {  	p0 =	seq.s32 s10, $0x1;
	s10 =	sld [smem:$0x3FA8];
	_ =	sdelay $0x3  }
0x34: {  	[smem:$0x3FA8] =	sst s10  }
0x35: {  	s10 =	sld [smem:$0x3FA7];
	_ =	sdelay $0x3  }
0x36: {  	p1 =	seq.s32 s10, $0x1;
	s10 =	sld [smem:$0x3FA8];
	_ =	sdelay $0x3  }
0x37: {  	[smem:$0x3FA8] =	sst s10  }
0x38: {  	s10 =	sld [smem:$0x3FA9]  }
0x39: {  	_ = 	snop;
	(pc) =	sbr.ind lr, $3  }
0x3a: {  	_ = 	snop  }
0x3b: {  	_ = 	snop  }
0x3c: {  	p2 =	seq.s32 s10, $0x1;
	s10 =	sld [smem:$0x3FA8]  }
0x3d: {  	_ =	shalt  }
0x3e: {  	_ =	shalt  }
0x3f: {  	_ =	shalt  }
0x40: {  	_ =	shalt  }
0x41: {  	_ =	shalt  }
0x42: {  	_ =	shalt  }
0x43: {  	_ =	shalt  }
0x44: {  	_ =	shalt  }
0x45: {  	_ =	shalt  }
0x46: {  	_ =	shalt  }
0x47: {  	_ =	shalt  }
0x48: {  	_ =	shalt  }
0x49: {  	_ =	shalt  }
0x4a: {  	_ =	shalt  }
0x4b: {  	_ =	shalt  }
0x4c: {  	_ =	shalt  }
0x4d: {  	_ =	shalt  }
0x4e: {  	_ =	shalt  }
0x4f: {  	_ =	shalt  }
0x50: {  	_ =	shalt  }
0x51: {  	_ =	shalt  }
0x52: {  	_ =	shalt  }
0x53: {  	_ =	shalt  }
0x54: {  	_ =	shalt  }
0x55: {  	_ =	shalt  }
0x56: {  	_ =	shalt  }
0x57: {  	_ =	shalt  }
0x58: {  	_ =	shalt  }
0x59: {  	_ =	shalt  }
0x5a: {  	_ =	shalt  }
0x5b: {  	_ =	shalt  }
0x5c: {  	_ =	shalt  }
0x5d: {  	_ =	shalt  }
0x5e: {  	_ =	shalt  }
0x5f: {  	_ =	shalt  }
0x60: {  	_ =	shalt  }
0x61: {  	_ =	shalt  }
0x62: {  	_ =	shalt  }
0x63: {  	_ =	shalt  }
0x64: {  	_ =	shalt  }
0x65: {  	_ =	shalt  }
0x66: {  	_ =	shalt  }
0x67: {  	_ =	shalt  }
0x68: {  	_ =	shalt  }
0x69: {  	_ =	shalt  }
0x6a: {  	_ =	shalt  }
0x6b: {  	_ =	shalt  }
0x6c: {  	_ =	shalt  }
0x6d: {  	_ =	shalt  }
0x6e: {  	_ =	shalt  }
0x6f: {  	_ =	shalt  }
0x70: {  	_ =	shalt  }
0x71: {  	_ =	shalt  }
0x72: {  	_ =	shalt  }
0x73: {  	_ =	shalt  }
0x74: {  	_ =	shalt  }
0x75: {  	_ =	shalt  }
0x76: {  	_ =	shalt  }
0x77: {  	_ =	shalt  }
0x78: {  	_ =	shalt  }
0x79: {  	_ =	shalt  }
0x7a: {  	_ =	shalt  }
0x7b: {  	_ =	shalt  }
0x7c: {  	_ =	shalt  }
0x7d: {  	_ =	shalt  }
0x7e: {  	_ =	shalt  }
0x7f: {  	_ =	shalt  }
0x80: {  	_ =	shalt  }
0x81: {  	_ =	shalt  }
0x82: {  	_ =	shalt  }
0x83: {  	_ =	shalt  }
0x84: {  	_ =	shalt  }
0x85: {  	_ =	shalt  }
0x86: {  	_ =	shalt  }
0x87: {  	_ =	shalt  }
.Lfunc_end0:
.L_simem_size_0:
called_computation_lowered:
.L_overlay_start_0:
0x88: {  	s2 =	sld [smem:$0x3FD9]  }
0x89: {  	s3 =	sld [smem:$0x3FFE];
	_ =	sdelay $0x1  }
0x8a: {  	s1 =	srdreg.scid  }
0x8b: {  	s0 =	sand.u32 $0x1, s1  }
0x8c: {  	s16 =	sshll.u32 s0, $0xA;
	s2 =	sadd.s32 s3, s2  }
0x8d: {  	s2 =	sadd.s32 s2, s16  }
0x8e: {  	[smem:$0x3FB4] =	sst s2  }
0x8f: {  	_ = 	snop  }
0x90: {  	(tm) =	ssettm $0x1  }
0x91: {  	s17 =	sld [smem:$0x3FFB];
	_ =	sdelay $0x3  }
0x92: {  	_ =	strace s17  }
0x93: {  	s2 =	sld [smem:$0x3FFC];
	_ =	sdelay $0x3  }
0x94: {  	_ =	strace s2  }
0x95: {  	s2 =	sld [smem:$0x3FFD];
	_ =	sdelay $0x3  }
0x96: {  	_ =	strace s2  }
0x97: {  	_ =	strace $0x8FFFFFFF  }
0x98: {  	s18 =	sld [smem:$0x3FDB];
	_ =	sdelay $0x1  }
0x99: {  	s19 =	simm.s32 $_scs_section_size  }
0x9a: {  	s4 =	simm.s32 $_size__tile_overlayer_lowered;
	s5 =	simm.s32 $_tile_overlayer_lowered  }
0x9b: {  	s22 =	simm.s32 $0x1BFF;
	s21 =	sshll.u32 s5, $0x1;
	s2 =	sadd.s32 s19, s18  }
0x9c: {  	s6 =	simm.s32 $0x0;
	s20 =	sshll.u32 s4, $0x1;
	s4 =	sadd.s32 s21, s2  }
0x9d: {  	[timem:s6], [sflag:s22] =	dma.local [hbm:s4], s20  }
0x9e: {  	_ =	swait.ge [sflag:s22], s20  }
0x9f: {  	s3 =	ssub.s32 $0x0, s20;
	[sflag:s22] =	ssyncset.done $0x0  }
0xa0: {  	[sflag:s22] =	ssyncadd.s32 s3;
	_ =	sdelay $0x1  }
0xa1: {  	s23 =	simm.s32 $0x1B8B  }
0xa2: {  	_ =	swait.ge [sflag:s23], $0x1  }
0xa3: {  	[sflag:s23] =	ssyncset.done $0x0  }
0xa4: {  	s25 =	simm.s32 $0x1B8E;
	s24 =	sld [smem:$0x3FFE];
	[sflag:s23] =	ssyncadd.s32 $0xFFFFFFFF  }
0xa5: {  	s26 =	simm.s32 $execute0_lowered;
	[smem:$0x3FD2] =	sst s25  }
0xa6: {  	s4 =	sshll.u32 s26, $0x1;
	_ =	strace $0x80000046;
	[dreg:$0x1] =	wrdreg $0xFFFFFFFF  }
0xa7: {  	s28 =	simm.s32 $_size_execute0_lowered;
	s2 =	sadd.s32 s2, s4;
	[dreg:$0x0] =	wrdreg $0x0  }
0xa8: {  	s4 =	sshll.u32 s28, $0x1;
	[dreg:$0x2] =	wrdreg s2  }
0xa9: {  	[dreg:$0x3] =	wrdreg s4  }
0xaa: {  	[dreg:$0x4] =	wrdreg $0xC0  }
0xab: {  	_ =	task [dreg:s6], $0x5FFFF  }
0xac: {  	[dreg:$0x1] =	wrdreg $0xFFFFFFFF  }
0xad: {  	[dreg:$0x0] =	wrdreg $0x60  }
0xae: {  	[dreg:$0x2] =	wrdreg s24  }
0xaf: {  	[dreg:$0x3] =	wrdreg $0x9  }
0xb0: {  	_ =	task.clear_ibuf [dreg:s6], $0x4FFFF;
	_ =	strace $0x90000046  }
0xb1: {  	s29 =	simm.s32 $0x9;
	_ =	strace $0x80000048  }
0xb2: {  	_ =	swait.ge [sflag:s29], $0x1  }
0xb3: {  	[sflag:s29] =	ssyncadd.s32 $0xFFFFFFFF  }
0xb4: {  	_ =	strace $0x90000048  }
0xb5: {  	_ =	sfence  }
0xb6: {  	s30 =	sld [smem:$0x0];
	_ =	sdelay $0x2  }
0xb7: {  	s31 =	sshll.u32 s1, $0xD;
	s1 =	sshrl.u32 s1, $0x2  }
0xb8: {  	s3 =	sand.u32 $0x4000, s31;
	s1 =	sadd.s32 s1, s30  }
0xb9: {  	s0 =	sor.u32 s3, s0;
	s1 =	sshll.u32 s1, $0x11  }
0xba: {  	s0 =	sor.u32 s1, s0  }
0xbb: {  	s0 =	sadd.s32 $0x8F2B, s0  }
0xbc: {  	[sflag:s0] =	ssyncadd.remote.s32 $0x1  }
0xbd: {  	_ =	sfence.sel $0xFFFF  }
0xbe: {  	[dreg:$0x0] =	wrdreg $0xFFFFFFFF;
	(pc) =	sbr.abs _section_cstart, $3  }
0xbf: {  	[dreg:$0x1] =	wrdreg $0xFFFFFFFF  }
0xc0: {  	_ =	task.clear_ibuf [dreg:s6], $0x2FFFF;
	_ =	strace $0x9FFFFFFF  }
0xc1: {  	(tm) =	ssettm $0x7FFFFFFF  }
tec
execute0_lowered:
.L_overlay_start_1:
0x0: {  	(tag) =	ssettag $0x1  }
0x1: {  	s4 =	rddreg [dreg:$0x0]  }
0x2: {  	s0 =	rddreg [dreg:$0x1]  }
0x3: {  	s3 =	srdreg.scid;
	s1 =	stileid.u32;
	s2 =	simm.s32 $0x0  }
0x4: {  	s10 =	simm.s32 $0x1;
	s11 =	simm.s32 $0x0;
	s6 =	smul.u32 $0x2F00, s1  }
0x5: {  	s5 =	sand.u32 $0x1, s3;
	[smem:$0x7FF] =	sst s2;
	s8 =	smul.u32 $0x2F000, s1  }
0x6: {  	s3 =	sadd.s32 $0x33C00, s4;
	s7 =	smul.u32 $0x1780, s5;
	s9 =	ssub.s32 $0x2, s5  }
0x7: {  	_ =	strace $0x80000047;
	s5 =	smul.u32 $0x17800, s5;
	s31 =	sshrl.u32 s9, $0x1  }
0x8: {  	s30 =	sadd.s32 s8, s4;
	s6 =	sadd.s32 s7, s6;
	s8 =	ssub.s32 s9, s31  }
0x9: {  	s5 =	sadd.s32 s5, s30;
	s7 =	simm.s32 $0x2;
	s6 =	sshrl.u32 s6, $0x3  }
0xa: {  	s9 =	simm.s32 $0x180;
	s5 =	sadd.s32 $0x42B200, s5;
	s6 =	sadd.s32 s6, s4  }
0xb: {  	s4 =	smax.u32 s8, $0x1;
	s8 =	simm.s32 $0x178;
	s6 =	sadd.s32 $0x4600, s6  }
.LBB2_1:
0xc: {  	s12 =	sadd.s32 $0x0, s6  }
0xd: {  	[tilespmem:s2], [sflag:$0x2] =	stream.linear.gather [hbm4b:s12+s2], $0x178, $0x38;
	[tilespmem:$0xBD80] =	vst v63  }
0xe: {  	_ =	swait.ge [sflag:s7], $0x178  }
0xf: {  	[sflag:s7] =	ssyncset.done $0x0  }
0x10: {  	[sflag:s7] =	ssyncadd.s32 $0xFFFFFE88  }
0x11: {  	[tilespmem:s9], [sflag:$0x1] =	stream.indirect.gather [hbm4b:s3+s8], $0x80, s2, s8, $0xb8;
	[tilespmem:$0xBD80] =	vst v63  }
0x12: {  	_ =	swait.ge [sflag:s10], $0xBC00  }
0x13: {  	[sflag:s10] =	ssyncset.done $0x0  }
0x14: {  	[sflag:s10] =	ssyncadd.s32 $0xFFFF4400  }
0x15: {  	[hbm4b:s5+s2] =	stream.linear.scatter [tilespmem:s9], [sflag:$0x2], $0xBC00, $0x38;
	[tilespmem:$0xBD80] =	vst v63  }
0x16: {  	s13 =	simm.s32 $0x2F;
	_ =	swait.ge [sflag:s7], $0xBC00  }
0x17: {  	s14 =	simm.s32 $0x5E;
	s12 =	sadd.s32 $0x1780, s5;
	[sflag:s7] =	ssyncset.done $0x0  }
.LBB2_2:
0x18: {  	s15 =	sadd.s32 s13, s6  }
0x19: {  	[sflag:s7] =	ssyncadd.s32 $0xFFFF4400;
	s13 =	smov.u32 s14;
	s16 =	sadd.s32 $0x2F, s14  }
0x1a: {  	[tilespmem:s2], [sflag:$0x2] =	stream.linear.gather [hbm4b:s15+s2], $0x178, $0x38;
	[tilespmem:$0xBD80] =	vst v63  }
0x1b: {  	p0 =	sne.s32 s14, $0x2C1;
	_ =	swait.ge [sflag:s7], $0x178  }
0x1c: {  	[sflag:s7] =	ssyncset.done $0x0  }
0x1d: {  	[sflag:s7] =	ssyncadd.s32 $0xFFFFFE88  }
0x1e: {  	[tilespmem:s9], [sflag:$0x1] =	stream.indirect.gather [hbm4b:s3+s8], $0x80, s2, s8, $0xb8;
	[tilespmem:$0xBD80] =	vst v63  }
0x1f: {  	_ =	swait.ge [sflag:s10], $0xBC00  }
.Ltmp0:
0x20: {  	[sflag:s10] =	ssyncset.done $0x0;
	(pc) =	sbr.rel @p0 .LBB2_2-.Ltmp0, $4  }
0x21: {  	[sflag:s10] =	ssyncadd.s32 $0xFFFF4400  }
0x22: {  	[hbm4b:s12+s2] =	stream.linear.scatter [tilespmem:s9], [sflag:$0x2], $0xBC00, $0x38;
	[tilespmem:$0xBD80] =	vst v63  }
0x23: {  	_ =	swait.ge [sflag:s7], $0xBC00  }
0x24: {  	s14 =	smov.u32 s16;
	s12 =	sadd.s32 $0x1780, s12;
	[sflag:s7] =	ssyncset.done $0x0  }
0x25: {  	s13 =	sadd.s32 s13, s6;
	[sflag:s7] =	ssyncadd.s32 $0xFFFF4400  }
0x26: {  	[tilespmem:s2], [sflag:$0x2] =	stream.linear.gather [hbm4b:s13+s2], $0x178, $0x38;
	[tilespmem:$0xBD80] =	vst v63  }
0x27: {  	_ =	swait.ge [sflag:s7], $0x178  }
0x28: {  	[sflag:s7] =	ssyncset.done $0x0  }
0x29: {  	[sflag:s7] =	ssyncadd.s32 $0xFFFFFE88  }
0x2a: {  	[tilespmem:s9], [sflag:$0x1] =	stream.indirect.gather [hbm4b:s3+s8], $0x80, s2, s8, $0xb8;
	[tilespmem:$0xBD80] =	vst v63  }
0x2b: {  	s11 =	sadd.s32 $0x1, s11;
	_ =	swait.ge [sflag:s10], $0xBC00  }
0x2c: {  	p0 =	sne.s32 s11, s4;
	[sflag:s10] =	ssyncset.done $0x0  }
.Ltmp1:
0x2d: {  	[sflag:s10] =	ssyncadd.s32 $0xFFFF4400;
	(pc) =	sbr.rel @p0 .LBB2_1-.Ltmp1, $4  }
0x2e: {  	[hbm4b:s12+s2] =	stream.linear.scatter [tilespmem:s9], [sflag:$0x2], $0xBC00, $0x38;
	[tilespmem:$0xBD80] =	vst v63  }
0x2f: {  	_ =	swait.ge [sflag:s7], $0xBC00  }
0x30: {  	[sflag:s7] =	ssyncset.done $0x0  }
0x31: {  	[sflag:s7] =	ssyncadd.s32 $0xFFFF4400  }
0x32: {  	_ =	sfence.sel $0x180000  }
0x33: {  	[bflag:$0x0] =	sbarrier.arrive $0xFFFF  }
0x34: {  	p0 =	sne.s32 s1, $0x0;
	_ =	strace $0x90000047  }
0x35: {  	s0 =	sadd.s32 @!p0 $0x100000, s0;
	[bflag:$0x2] =	sbarrier.arrive $0xFFFF  }
0x36: {  	[sflag:s0] =	ssyncadd.tile.s32 @!p0 $0x1;
	_ =	shalt  }
.Lfunc_end2:
_tile_overlayer_lowered:
.L_overlay_start_2:
0x37: {  	(tag) =	ssettag $0x2  }
0x38: {  	s0 =	rddreg [dreg:$0x0];
	s2 =	stileid.u32  }
0x39: {  	s1 =	rddreg [dreg:$0x1];
	p0 =	sne.s32 s2, $0x0  }
0x3a: {  	s3 =	rddreg [dreg:$0x2];
	[bflag:$0x3] =	sbarrier.arrive $0xFFFF;
	s2 =	simm.s32 @!p0 $0x1C02  }
0x3b: {  	[timem:s3], [sflag:s2] =	dma.local @!p0 [hbm:s0], s1  }
0x3c: {  	s0 =	simm.s32 @!p0 $0x2  }
0x3d: {  	_ =	swait.ge @!p0 [sflag:s0], s1  }
0x3e: {  	s1 =	ssub.s32 @!p0 $0x0, s1;
	[sflag:s0] =	ssyncset.done @!p0 $0x0  }
0x3f: {  	[sflag:s0] =	ssyncadd.s32 @!p0 s1  }
0x40: {  	[bflag:$0x3] =	sbarrier.arrive $0xFFFF  }
0x41: {  	_ =	shalt  }

</sc_bundles>
